<compile_context>
chip_gen: v7x
topology: tpu7x:2x2x1
jax: 0.10.2.dev20260603
libtpu: 0.0.44.dev20260713+nightly
codegen_flags: <defaults>
</compile_context>

<pallas_src>
import dataclasses
import functools

import jax
import jax.numpy as jnp
from jax import lax
from jax.experimental import pallas as pl
from jax.experimental.pallas import tpu as pltpu
from jax.experimental.pallas import tpu_sc as plsc

N = 10000
NP = 10240
E = 160000
EP = 163840
G = 64
F0 = 512
F1 = 384
F2 = 128
BN = 256
NBLK = NP // BN
RPT = NP // 16

_mesh = plsc.VectorSubcoreMesh(core_axis_name="c", subcore_axis_name="s")

_sc_params = pltpu.CompilerParams()
if "needs_layout_passes" in pltpu.CompilerParams.__dataclass_fields__:
    _sc_params = dataclasses.replace(_sc_params, needs_layout_passes=False)


@functools.partial(
    pl.kernel,
    out_type=jax.ShapeDtypeStruct((32, 80, 128), jnp.float32),
    mesh=_mesh,
    compiler_params=_sc_params,
    scratch_types=[
        pltpu.VMEM((EP // 32,), jnp.int32),
        pltpu.VMEM((80, 128), jnp.float32),
    ],
)
def _deg(dst_hbm, out_hbm, dst_v, deg_v):
    wid = lax.axis_index("s") * 2 + lax.axis_index("c")
    pltpu.sync_copy(dst_hbm.at[wid], dst_v)
    zero16 = jnp.zeros((16,), jnp.float32)

    @pl.loop(0, 80)
    def _zero_row(r):
        @pl.loop(0, 128, step=16)
        def _zero_col(cc):
            deg_v[r, pl.ds(cc, 16)] = zero16

    one16 = jnp.ones((16,), jnp.float32)

    @pl.loop(0, EP // 32, step=16)
    def _hist(i):
        d = dst_v[pl.ds(i, 16)]
        plsc.addupdate_scatter(
            deg_v, [jnp.right_shift(d, 7), jnp.bitwise_and(d, 127)], one16
        )

    pltpu.sync_copy(deg_v, out_hbm.at[wid])


@functools.partial(
    pl.kernel,
    out_type=jax.ShapeDtypeStruct((4 * NP, 128), jnp.float32),
    mesh=_mesh,
    compiler_params=_sc_params,
    scratch_types=[
        pltpu.VMEM((80, 64), jnp.int32),
        pltpu.VMEM((80, 64), jnp.int32),
        pltpu.VMEM((2, 64, 128), jnp.float32),
        pltpu.VMEM((64, 128), jnp.float32),
        pltpu.VMEM_SHARED((NP, 128), jnp.float32),
        [pltpu.SemaphoreType.DMA] * 3,
    ],
)
def _agg(hn_hbm, src4_hbm, dst_hbm, zeros_hbm, out_hbm,
         src_v, dst_v, gbuf01, gbuf2, acc, gsems):
    cid = lax.axis_index("c")
    sid = lax.axis_index("s")

    def buf(b):
        return gbuf2 if b == 2 else gbuf01.at[b]

    @pl.loop(0, 2)
    def _chunk(k):
        chunk = cid * 2 + k
        pltpu.sync_copy(zeros_hbm, acc.at[pl.ds(sid * RPT, RPT)])
        plsc.subcore_barrier()

        @pl.loop(0, 2)
        def _half(h):
            pltpu.sync_copy(src4_hbm.at[(chunk * 16 + sid) * 2 + h], src_v)
            pltpu.sync_copy(dst_hbm.at[sid * 2 + h], dst_v)

            def gstart(j, b):
                pltpu.async_copy(hn_hbm.at[src_v.at[j]], buf(b), gsems[b])

            def gwait(j, b):
                pltpu.make_async_copy(hn_hbm.at[src_v.at[j]], buf(b),
                                      gsems[b]).wait()

            def step(j, b, refill):
                gwait(j, b)
                pltpu.sync_copy(buf(b), acc.at[dst_v.at[j]], add=True)
                if refill:
                    gstart(j + 3, b)

            for b in range(3):
                gstart(b, b)

            @pl.loop(0, 25)
            def _edge_batches(t):
                for b in range(3):
                    step(t * 3 + b, b, True)

            step(75, 0, True)
            step(76, 1, True)
            step(77, 2, False)
            step(78, 0, False)
            step(79, 1, False)

        plsc.subcore_barrier()
        pltpu.sync_copy(acc.at[pl.ds(sid * RPT, RPT)],
                        out_hbm.at[pl.ds(chunk * NP + sid * RPT, RPT)])
        plsc.subcore_barrier()


def _bf(x):
    return x.astype(jnp.bfloat16)


def _mlp0_body(degp, xb, w0, b0, hn4o, dinvo):
    i = pl.program_id(0)
    deg = jnp.sum(degp[...], axis=0) + 1.0
    rows = i * BN + lax.broadcasted_iota(jnp.int32, (BN, 1), 0)
    dinv = jnp.where(rows < N, lax.rsqrt(deg), 0.0)
    h = jnp.dot(xb[...], w0[...], preferred_element_type=jnp.float32) + b0[...]
    h = jnp.maximum(h, 0.0) * dinv
    for c in range(4):
        hn4o[c] = h[:, c * 128:(c + 1) * 128]
    dinvo[...] = dinv


def _mlp0(degp, x_pad, w0t, b0p):
    return pl.pallas_call(
        _mlp0_body,
        grid=(NBLK,),
        in_specs=[
            pl.BlockSpec((32, BN, 1), lambda i: (0, i, 0)),
            pl.BlockSpec((BN, 128), lambda i: (i, 0)),
            pl.BlockSpec((128, F0), lambda i: (0, 0)),
            pl.BlockSpec((1, F0), lambda i: (0, 0)),
        ],
        out_specs=[pl.BlockSpec((4, BN, 128), lambda i: (0, i, 0)),
                   pl.BlockSpec((BN, 1), lambda i: (i, 0))],
        out_shape=[jax.ShapeDtypeStruct((4, NP, 128), jnp.float32),
                   jax.ShapeDtypeStruct((NP, 1), jnp.float32)],
    )(degp, x_pad, w0t, b0p)


def _mlp2_body(a4, h4, dinv, wc, bc,
               w1, b1, w2, b2, w3, b3, b2d, out, h4s):
    i = pl.program_id(0)
    d = dinv[...]
    acc = jnp.zeros((BN, F0), jnp.float32)
    for c in range(4):
        z = _bf((a4[c] + h4[c]) * d)
        acc += jnp.dot(z, wc[c * 128:(c + 1) * 128, :],
                       preferred_element_type=jnp.float32)
    x1 = _bf(jnp.maximum(acc + bc[...], 0.0))
    x2 = _bf(jnp.maximum(
        jnp.dot(x1, w1[...], preferred_element_type=jnp.float32) + b1[...],
        0.0))
    x3 = _bf(jnp.maximum(
        jnp.dot(x2, w2[...], preferred_element_type=jnp.float32) + b2[...],
        0.0))
    h4s[pl.ds(i * BN, BN), :] = (
        jnp.dot(x3, w3[...], preferred_element_type=jnp.float32) + b3[...])

    @pl.when(i == NBLK - 1)
    def _():
        b = b2d[...]
        neg = jnp.full((8, 128), -jnp.inf, jnp.float32)

        def seg(s, carry):
            start = jnp.sum((b < s).astype(jnp.int32))
            end = jnp.sum((b < s + 1).astype(jnp.int32))

            def grp(gi, m):
                rows = gi * 8 + lax.broadcasted_iota(jnp.int32, (8, 128), 0)
                v = h4s[pl.ds(gi * 8, 8), :]
                return jnp.maximum(
                    m, jnp.where((rows >= start) & (rows < end), v, -jnp.inf))

            m = lax.fori_loop(start // 8, (end + 7) // 8, grp, neg)
            out[pl.ds(s, 1), :] = jnp.max(m, axis=0, keepdims=True)
            return carry

        lax.fori_loop(0, G, seg, 0)
        g = out[...]
        mx = jnp.max(g, axis=0, keepdims=True)
        e = jnp.exp(g - mx)
        out[...] = e / jnp.sum(e, axis=0, keepdims=True)


def _mlp2(agg4, hn4, dinv, wct, bcp, w1t, b1p, w2t, b2p, w3t, b3p, batch2d):
    stk = pl.BlockSpec((4, BN, 128), lambda i: (0, i, 0))
    full = lambda r, c: pl.BlockSpec((r, c), lambda i: (0, 0))
    return pl.pallas_call(
        _mlp2_body,
        grid=(NBLK,),
        in_specs=[stk, stk] + [
            pl.BlockSpec((BN, 1), lambda i: (i, 0)),
            full(F0, F0), full(1, F0),
            full(F0, F1), full(1, F1),
            full(F1, F2), full(1, F2),
            full(F2, 128), full(1, 128),
            full(80, 128),
        ],
        out_specs=pl.BlockSpec((G, 128), lambda i: (0, 0)),
        out_shape=jax.ShapeDtypeStruct((G, 128), jnp.float32),
        scratch_shapes=[pltpu.VMEM((NP, 128), jnp.float32)],
    )(agg4, hn4, dinv, wct, bcp, w1t, b1p, w2t, b2p, w3t, b3p, batch2d)


def kernel(x, edge_index, batch, W0, b0, Wc, bc, W1, b1, W2, b2, W3, b3):
    f32 = jnp.float32
    x_pad = jnp.zeros((NP, 128), f32).at[:N, :19].set(x)
    batch2d = jnp.full((NP,), G, jnp.int32).at[:N].set(batch).reshape(80, 128)
    src = jnp.full((EP,), N, jnp.int32).at[:E].set(edge_index[0])
    dst = jnp.full((EP,), N, jnp.int32).at[:E].set(edge_index[1])
    src4 = (src[None, :] + (jnp.arange(4, dtype=jnp.int32) * NP)[:, None])
    src4 = src4.reshape(128, 80, 64)
    dst3 = dst.reshape(32, 80, 64)
    dst32 = dst.reshape(32, EP // 32)
    zrows = jnp.zeros((RPT, 128), f32)

    w0t = jnp.zeros((128, F0), f32).at[:19, :500].set(W0.T)
    b0p = jnp.zeros((1, F0), f32).at[0, :500].set(b0)
    wct = _bf(jnp.zeros((F0, F0), f32).at[:500, :500].set(Wc.T))
    bcp = jnp.zeros((1, F0), f32).at[0, :500].set(bc)
    w1t = _bf(jnp.zeros((F0, F1), f32).at[:500, :300].set(W1.T))
    b1p = jnp.zeros((1, F1), f32).at[0, :300].set(b1)
    w2t = _bf(jnp.zeros((F1, F2), f32).at[:300, :100].set(W2.T))
    b2p = jnp.zeros((1, F2), f32).at[0, :100].set(b2)
    w3t = _bf(jnp.zeros((F2, 128), f32).at[:100, :6].set(W3.T))
    b3p = jnp.zeros((1, 128), f32).at[0, :6].set(b3)

    degp = _deg(dst32)
    degp = degp.reshape(32, NP, 1)
    hn4, dinv = _mlp0(degp, x_pad, w0t, b0p)
    agg_all = _agg(hn4.reshape(4 * NP, 128), src4, dst3, zrows)
    gout = _mlp2(agg_all.reshape(4, NP, 128), hn4, dinv,
                 wct, bcp, w1t, b1p, w2t, b2p, w3t, b3p, batch2d)
    return gout[:, :6]

# --- scband reference (transcript-rebuilt; emitter-appended) ---
"""Pipeline reference for scband-gcn-age-77068893160479 (READ-ONLY COPY).

The authoritative reference and input builder live on the scoring server;
editing this copy changes nothing except your own understanding.
"""

import jax, jax.numpy as jnp
import numpy as np


def setup_inputs(seed: int = 0) -> dict:
    key = jax.random.key(seed)
    ks = jax.random.split(key, 16)
    N = 10000
    E = 160000
    G = 64
    x = jax.random.normal(ks[0], (N, 19), dtype=jnp.float32)
    edge_index = jax.random.randint(ks[1], (2, E), 0, N, dtype=jnp.int32)
    batch = jnp.sort(jax.random.randint(ks[2], (N,), 0, G, dtype=jnp.int32))
    s = 0.05
    W0 = jax.random.normal(ks[3], (500, 19), dtype=jnp.float32) * s
    b0 = jnp.zeros((500,), dtype=jnp.float32)
    Wc = jax.random.normal(ks[4], (500, 500), dtype=jnp.float32) * s
    bc = jnp.zeros((500,), dtype=jnp.float32)
    W1 = jax.random.normal(ks[5], (300, 500), dtype=jnp.float32) * s
    b1 = jnp.zeros((300,), dtype=jnp.float32)
    W2 = jax.random.normal(ks[6], (100, 300), dtype=jnp.float32) * s
    b2 = jnp.zeros((100,), dtype=jnp.float32)
    W3 = jax.random.normal(ks[7], (6, 100), dtype=jnp.float32) * s
    b3 = jnp.zeros((6,), dtype=jnp.float32)
    return {"x": x, "edge_index": edge_index, "batch": batch,
            "W0": W0, "b0": b0, "Wc": Wc, "bc": bc,
            "W1": W1, "b1": b1, "W2": W2, "b2": b2, "W3": W3, "b3": b3}


def _gcn_conv(x, edge_index, W, b):
    # PyG GCNConv: add self-loops, symmetric deg^-1/2 normalization, linear, scatter-add, bias
    N = x.shape[0]
    loops = jnp.arange(N, dtype=edge_index.dtype)
    src = jnp.concatenate([edge_index[0], loops])
    dst = jnp.concatenate([edge_index[1], loops])
    deg = jnp.zeros((N,), dtype=x.dtype).at[dst].add(1.0)
    dinv = jax.lax.rsqrt(jnp.maximum(deg, 1e-12))
    norm = dinv[src] * dinv[dst]
    h = x @ W.T
    msg = h[src] * norm[:, None]
    out = jnp.zeros_like(h).at[dst].add(msg)
    return out + b


def reference(x, edge_index, batch, W0, b0, Wc, bc, W1, b1, W2, b2, W3, b3):
    # eval mode: dropout is identity
    h = jax.nn.relu(x @ W0.T + b0)
    h = jax.nn.relu(_gcn_conv(h, edge_index, Wc, bc))
    h = jax.nn.relu(h @ W1.T + b1)
    h = jax.nn.relu(h @ W2.T + b2)
    h = h @ W3.T + b3
    g = jax.ops.segment_max(h, batch, num_segments=64)
    out = jax.nn.softmax(g, axis=0)
    return out

if __name__ == "__main__":
    import jax
    _d = setup_inputs()
    print(jax.jit(kernel)(*tuple(_d.values())))

</pallas_src>

<mosaic_0001>
#map = affine_map<(d0, d1) -> (0, 0)>
#map1 = affine_map<(d0, d1) -> (0, 0, 0)>
module attributes {stable_mosaic.version = 14 : i64} {
  func.func @_agg(%arg0: i32, %arg1: i32, %arg2: memref<40960x128xf32, #tpu.memory_space<hbm>>, %arg3: memref<128x80x64xi32, #tpu.memory_space<hbm>>, %arg4: memref<32x80x64xi32, #tpu.memory_space<hbm>>, %arg5: memref<640x128xf32, #tpu.memory_space<hbm>>, %arg6: memref<40960x128xf32, #tpu.memory_space<hbm>>, %arg7: memref<80x64xi32, #tpu.memory_space<vmem>>, %arg8: memref<80x64xi32, #tpu.memory_space<vmem>>, %arg9: memref<2x64x128xf32, #tpu.memory_space<vmem>>, %arg10: memref<64x128xf32, #tpu.memory_space<vmem>>, %arg11: memref<10240x128xf32, #tpu.memory_space<vmem_shared>>, %arg12: memref<!tpu.dma_semaphore, #tpu.memory_space<semaphore_mem>>, %arg13: memref<!tpu.dma_semaphore, #tpu.memory_space<semaphore_mem>>, %arg14: memref<!tpu.dma_semaphore, #tpu.memory_space<semaphore_mem>>) attributes {dimension_semantics = [#tpu.dimension_semantics<core_parallel>, #tpu.dimension_semantics<subcore_parallel>], iteration_bounds = array<i64: 2, 16>, scalar_prefetch = 0 : i64, scratch_operands = 8 : i64, tpu.core_type = #tpu.core_type<sc_vector_subcore>, window_params = [{transform_indices = #map}, {transform_indices = #map1}, {transform_indices = #map1}, {transform_indices = #map}, {transform_indices = #map}]} {
    %scan3A = arith.constant 0 : i32
    %scan3A_0 = arith.constant 2 : i32
    %scan3A_1 = arith.addi %scan3A, %scan3A_0 : i32
    %scan3A_2 = arith.constant 1 : i32
    scf.for %scan3A_4 = %scan3A to %scan3A_1 step %scan3A_2  : i32 {
      %mul3A = arith.constant 1 : i32
      %mul3A_5 = arith.muli %scan3A_4, %mul3A : i32
      %add3A = arith.constant 0 : i32
      %add3A_6 = arith.addi %add3A, %mul3A_5 : i32
      %mul3A_7 = arith.constant 2 : i32
      %mul3A_8 = arith.muli %arg0, %mul3A_7 : i32
      %add3A_9 = arith.addi %mul3A_8, %add3A_6 : i32
      %mul3A_10 = arith.constant 640 : i32
      %mul3A_11 = arith.muli %arg1, %mul3A_10 : i32
      "tpu.region"() ({
        %run_scoped3A = tpu.sem_alloc : memref<!tpu.dma_semaphore, #tpu.memory_space<semaphore_mem>>
        %dma_start3A = arith.constant 0 : i32
        %dma_start3A_26 = tpu.memref_slice %arg11[%mul3A_11, %dma_start3A] : memref<10240x128xf32, #tpu.memory_space<vmem_shared>> -> memref<640x128xf32, #tpu.memory_space<vmem_shared>>
        tpu.enqueue_dma source(%arg5 : memref<640x128xf32, #tpu.memory_space<hbm>>) target(%dma_start3A_26 : memref<640x128xf32, #tpu.memory_space<vmem_shared>>) target_semaphore(%run_scoped3A : memref<!tpu.dma_semaphore, #tpu.memory_space<semaphore_mem>>)
        %dma_wait3A = arith.constant 0 : i32
        %dma_wait3A_27 = tpu.memref_slice %arg11[%mul3A_11, %dma_wait3A] : memref<10240x128xf32, #tpu.memory_space<vmem_shared>> -> memref<640x128xf32, #tpu.memory_space<vmem_shared>>
        tpu.wait_dma2 semaphore(%run_scoped3A : memref<!tpu.dma_semaphore, #tpu.memory_space<semaphore_mem>>) src(%arg5 : memref<640x128xf32, #tpu.memory_space<hbm>>) dst(%dma_wait3A_27 : memref<640x128xf32, #tpu.memory_space<vmem_shared>>)
        tpu.yield
      }) : () -> ()
      %barrier3A = arith.constant 0 : index
      tpu.barrier barrier_id(%barrier3A)
      %scan3A_12 = arith.constant 0 : i32
      %scan3A_13 = arith.constant 2 : i32
      %scan3A_14 = arith.addi %scan3A_12, %scan3A_13 : i32
      %scan3A_15 = arith.constant 1 : i32
      scf.for %scan3A_26 = %scan3A_12 to %scan3A_14 step %scan3A_15  : i32 {
        %mul3A_27 = arith.constant 1 : i32
        %mul3A_28 = arith.muli %scan3A_26, %mul3A_27 : i32
        %add3A_29 = arith.constant 0 : i32
        %add3A_30 = arith.addi %add3A_29, %mul3A_28 : i32
        %mul3A_31 = arith.constant 16 : i32
        %mul3A_32 = arith.muli %add3A_9, %mul3A_31 : i32
        %add3A_33 = arith.addi %mul3A_32, %arg1 : i32
        %mul3A_34 = arith.constant 2 : i32
        %mul3A_35 = arith.muli %add3A_33, %mul3A_34 : i32
        %add3A_36 = arith.addi %mul3A_35, %add3A_30 : i32
        "tpu.region"() ({
          %run_scoped3A_161 = tpu.sem_alloc : memref<!tpu.dma_semaphore, #tpu.memory_space<semaphore_mem>>
          %dma_start3A_162 = arith.constant 0 : i32
          %dma_start3A_163 = arith.constant 0 : i32
          %dma_start3A_164 = tpu.memref_slice %arg3[%add3A_36, %dma_start3A_162, %dma_start3A_163] : memref<128x80x64xi32, #tpu.memory_space<hbm>> -> memref<1x80x64xi32, #tpu.memory_space<hbm>>
          %dma_start3A_165 = tpu.memref_squeeze %dma_start3A_164 : memref<1x80x64xi32, #tpu.memory_space<hbm>> -> memref<80x64xi32, #tpu.memory_space<hbm>>
          %dma_start3A_166 = arith.constant 0 : i32
          %dma_start3A_167 = arith.constant 0 : i32
          %dma_start3A_168 = tpu.memref_slice %arg3[%add3A_36, %dma_start3A_166, %dma_start3A_167] : memref<128x80x64xi32, #tpu.memory_space<hbm>> -> memref<1x80x64xi32, #tpu.memory_space<hbm>>
          %dma_start3A_169 = tpu.memref_squeeze %dma_start3A_168 : memref<1x80x64xi32, #tpu.memory_space<hbm>> -> memref<80x64xi32, #tpu.memory_space<hbm>>
          tpu.enqueue_dma source(%dma_start3A_169 : memref<80x64xi32, #tpu.memory_space<hbm>>) target(%arg7 : memref<80x64xi32, #tpu.memory_space<vmem>>) target_semaphore(%run_scoped3A_161 : memref<!tpu.dma_semaphore, #tpu.memory_space<semaphore_mem>>)
          %dma_wait3A_170 = arith.constant 0 : i32
          %dma_wait3A_171 = arith.constant 0 : i32
          %dma_wait3A_172 = tpu.memref_slice %arg3[%add3A_36, %dma_wait3A_170, %dma_wait3A_171] : memref<128x80x64xi32, #tpu.memory_space<hbm>> -> memref<1x80x64xi32, #tpu.memory_space<hbm>>
          %dma_wait3A_173 = tpu.memref_squeeze %dma_wait3A_172 : memref<1x80x64xi32, #tpu.memory_space<hbm>> -> memref<80x64xi32, #tpu.memory_space<hbm>>
          %dma_wait3A_174 = arith.constant 0 : i32
          %dma_wait3A_175 = arith.constant 0 : i32
          %dma_wait3A_176 = tpu.memref_slice %arg3[%add3A_36, %dma_wait3A_174, %dma_wait3A_175] : memref<128x80x64xi32, #tpu.memory_space<hbm>> -> memref<1x80x64xi32, #tpu.memory_space<hbm>>
          %dma_wait3A_177 = tpu.memref_squeeze %dma_wait3A_176 : memref<1x80x64xi32, #tpu.memory_space<hbm>> -> memref<80x64xi32, #tpu.memory_space<hbm>>
          tpu.wait_dma2 semaphore(%run_scoped3A_161 : memref<!tpu.dma_semaphore, #tpu.memory_space<semaphore_mem>>) src(%dma_wait3A_177 : memref<80x64xi32, #tpu.memory_space<hbm>>) dst(%arg7 : memref<80x64xi32, #tpu.memory_space<vmem>>)
          tpu.yield
        }) : () -> ()
        %mul3A_37 = arith.constant 2 : i32
        %mul3A_38 = arith.muli %arg1, %mul3A_37 : i32
        %add3A_39 = arith.addi %mul3A_38, %add3A_30 : i32
        "tpu.region"() ({
          %run_scoped3A_161 = tpu.sem_alloc : memref<!tpu.dma_semaphore, #tpu.memory_space<semaphore_mem>>
          %dma_start3A_162 = arith.constant 0 : i32
          %dma_start3A_163 = arith.constant 0 : i32
          %dma_start3A_164 = tpu.memref_slice %arg4[%add3A_39, %dma_start3A_162, %dma_start3A_163] : memref<32x80x64xi32, #tpu.memory_space<hbm>> -> memref<1x80x64xi32, #tpu.memory_space<hbm>>
          %dma_start3A_165 = tpu.memref_squeeze %dma_start3A_164 : memref<1x80x64xi32, #tpu.memory_space<hbm>> -> memref<80x64xi32, #tpu.memory_space<hbm>>
          %dma_start3A_166 = arith.constant 0 : i32
          %dma_start3A_167 = arith.constant 0 : i32
          %dma_start3A_168 = tpu.memref_slice %arg4[%add3A_39, %dma_start3A_166, %dma_start3A_167] : memref<32x80x64xi32, #tpu.memory_space<hbm>> -> memref<1x80x64xi32, #tpu.memory_space<hbm>>
          %dma_start3A_169 = tpu.memref_squeeze %dma_start3A_168 : memref<1x80x64xi32, #tpu.memory_space<hbm>> -> memref<80x64xi32, #tpu.memory_space<hbm>>
          tpu.enqueue_dma source(%dma_start3A_169 : memref<80x64xi32, #tpu.memory_space<hbm>>) target(%arg8 : memref<80x64xi32, #tpu.memory_space<vmem>>) target_semaphore(%run_scoped3A_161 : memref<!tpu.dma_semaphore, #tpu.memory_space<semaphore_mem>>)
          %dma_wait3A_170 = arith.constant 0 : i32
          %dma_wait3A_171 = arith.constant 0 : i32
          %dma_wait3A_172 = tpu.memref_slice %arg4[%add3A_39, %dma_wait3A_170, %dma_wait3A_171] : memref<32x80x64xi32, #tpu.memory_space<hbm>> -> memref<1x80x64xi32, #tpu.memory_space<hbm>>
          %dma_wait3A_173 = tpu.memref_squeeze %dma_wait3A_172 : memref<1x80x64xi32, #tpu.memory_space<hbm>> -> memref<80x64xi32, #tpu.memory_space<hbm>>
          %dma_wait3A_174 = arith.constant 0 : i32
          %dma_wait3A_175 = arith.constant 0 : i32
          %dma_wait3A_176 = tpu.memref_slice %arg4[%add3A_39, %dma_wait3A_174, %dma_wait3A_175] : memref<32x80x64xi32, #tpu.memory_space<hbm>> -> memref<1x80x64xi32, #tpu.memory_space<hbm>>
          %dma_wait3A_177 = tpu.memref_squeeze %dma_wait3A_176 : memref<1x80x64xi32, #tpu.memory_space<hbm>> -> memref<80x64xi32, #tpu.memory_space<hbm>>
          tpu.wait_dma2 semaphore(%run_scoped3A_161 : memref<!tpu.dma_semaphore, #tpu.memory_space<semaphore_mem>>) src(%dma_wait3A_177 : memref<80x64xi32, #tpu.memory_space<hbm>>) dst(%arg8 : memref<80x64xi32, #tpu.memory_space<vmem>>)
          tpu.yield
        }) : () -> ()
        %dma_start3A = arith.constant 0 : i32
        %dma_start3A_40 = arith.constant 0 : i32
        %dma_start3A_41 = arith.constant 0 : i32
        %dma_start3A_42 = arith.constant 0 : i32
        %dma_start3A_43 = tpu.memref_slice %arg9[%dma_start3A_40, %dma_start3A_41, %dma_start3A_42] : memref<2x64x128xf32, #tpu.memory_space<vmem>> -> memref<1x64x128xf32, #tpu.memory_space<vmem>>
        %dma_start3A_44 = tpu.memref_squeeze %dma_start3A_43 : memref<1x64x128xf32, #tpu.memory_space<vmem>> -> memref<64x128xf32, #tpu.memory_space<vmem>>
        %dma_start3A_45 = arith.constant 0 : i32
        %dma_start3A_46 = tpu.memref_slice %arg7[%dma_start3A, %dma_start3A_45] : memref<80x64xi32, #tpu.memory_space<vmem>> -> memref<1x64xi32, #tpu.memory_space<vmem>>
        %dma_start3A_47 = tpu.memref_squeeze %dma_start3A_46 : memref<1x64xi32, #tpu.memory_space<vmem>> -> memref<64xi32, #tpu.memory_space<vmem>>
        %dma_start3A_48 = arith.constant 0 : i32
        %dma_start3A_49 = arith.constant 0 : i32
        %dma_start3A_50 = tpu.memref_slice %arg2[%dma_start3A_48, %dma_start3A_49] : memref<40960x128xf32, #tpu.memory_space<hbm>> -> memref<40960x128xf32, #tpu.memory_space<hbm>>
        tpu.enqueue_indirect_dma source(%dma_start3A_50 : memref<40960x128xf32, #tpu.memory_space<hbm>>) target(%dma_start3A_44 : memref<64x128xf32, #tpu.memory_space<vmem>>) offsets(%dma_start3A_47 : memref<64xi32, #tpu.memory_space<vmem>>) semaphore(%arg12 : memref<!tpu.dma_semaphore, #tpu.memory_space<semaphore_mem>>)
        %dma_start3A_51 = arith.constant 1 : i32
        %dma_start3A_52 = arith.constant 1 : i32
        %dma_start3A_53 = arith.constant 0 : i32
        %dma_start3A_54 = arith.constant 0 : i32
        %dma_start3A_55 = tpu.memref_slice %arg9[%dma_start3A_52, %dma_start3A_53, %dma_start3A_54] : memref<2x64x128xf32, #tpu.memory_space<vmem>> -> memref<1x64x128xf32, #tpu.memory_space<vmem>>
        %dma_start3A_56 = tpu.memref_squeeze %dma_start3A_55 : memref<1x64x128xf32, #tpu.memory_space<vmem>> -> memref<64x128xf32, #tpu.memory_space<vmem>>
        %dma_start3A_57 = arith.constant 0 : i32
        %dma_start3A_58 = tpu.memref_slice %arg7[%dma_start3A_51, %dma_start3A_57] : memref<80x64xi32, #tpu.memory_space<vmem>> -> memref<1x64xi32, #tpu.memory_space<vmem>>
        %dma_start3A_59 = tpu.memref_squeeze %dma_start3A_58 : memref<1x64xi32, #tpu.memory_space<vmem>> -> memref<64xi32, #tpu.memory_space<vmem>>
        %dma_start3A_60 = arith.constant 0 : i32
        %dma_start3A_61 = arith.constant 0 : i32
        %dma_start3A_62 = tpu.memref_slice %arg2[%dma_start3A_60, %dma_start3A_61] : memref<40960x128xf32, #tpu.memory_space<hbm>> -> memref<40960x128xf32, #tpu.memory_space<hbm>>
        tpu.enqueue_indirect_dma source(%dma_start3A_62 : memref<40960x128xf32, #tpu.memory_space<hbm>>) target(%dma_start3A_56 : memref<64x128xf32, #tpu.memory_space<vmem>>) offsets(%dma_start3A_59 : memref<64xi32, #tpu.memory_space<vmem>>) semaphore(%arg13 : memref<!tpu.dma_semaphore, #tpu.memory_space<semaphore_mem>>)
        %dma_start3A_63 = arith.constant 2 : i32
        %dma_start3A_64 = arith.constant 0 : i32
        %dma_start3A_65 = tpu.memref_slice %arg7[%dma_start3A_63, %dma_start3A_64] : memref<80x64xi32, #tpu.memory_space<vmem>> -> memref<1x64xi32, #tpu.memory_space<vmem>>
        %dma_start3A_66 = tpu.memref_squeeze %dma_start3A_65 : memref<1x64xi32, #tpu.memory_space<vmem>> -> memref<64xi32, #tpu.memory_space<vmem>>
        %dma_start3A_67 = arith.constant 0 : i32
        %dma_start3A_68 = arith.constant 0 : i32
        %dma_start3A_69 = tpu.memref_slice %arg2[%dma_start3A_67, %dma_start3A_68] : memref<40960x128xf32, #tpu.memory_space<hbm>> -> memref<40960x128xf32, #tpu.memory_space<hbm>>
        tpu.enqueue_indirect_dma source(%dma_start3A_69 : memref<40960x128xf32, #tpu.memory_space<hbm>>) target(%arg10 : memref<64x128xf32, #tpu.memory_space<vmem>>) offsets(%dma_start3A_66 : memref<64xi32, #tpu.memory_space<vmem>>) semaphore(%arg14 : memref<!tpu.dma_semaphore, #tpu.memory_space<semaphore_mem>>)
        %scan3A_70 = arith.constant 0 : i32
        %scan3A_71 = arith.constant 25 : i32
        %scan3A_72 = arith.addi %scan3A_70, %scan3A_71 : i32
        %scan3A_73 = arith.constant 1 : i32
        scf.for %scan3A_161 = %scan3A_70 to %scan3A_72 step %scan3A_73  : i32 {
          %mul3A_162 = arith.constant 1 : i32
          %mul3A_163 = arith.muli %scan3A_161, %mul3A_162 : i32
          %add3A_164 = arith.constant 0 : i32
          %add3A_165 = arith.addi %add3A_164, %mul3A_163 : i32
          %mul3A_166 = arith.constant 3 : i32
          %mul3A_167 = arith.muli %add3A_165, %mul3A_166 : i32
          %add3A_168 = arith.constant 0 : i32
          %add3A_169 = arith.addi %mul3A_167, %add3A_168 : i32
          %dma_wait3A_170 = arith.constant 0 : i32
          %dma_wait3A_171 = arith.constant 0 : i32
          %dma_wait3A_172 = arith.constant 0 : i32
          %dma_wait3A_173 = tpu.memref_slice %arg9[%dma_wait3A_170, %dma_wait3A_171, %dma_wait3A_172] : memref<2x64x128xf32, #tpu.memory_space<vmem>> -> memref<1x64x128xf32, #tpu.memory_space<vmem>>
          %dma_wait3A_174 = tpu.memref_squeeze %dma_wait3A_173 : memref<1x64x128xf32, #tpu.memory_space<vmem>> -> memref<64x128xf32, #tpu.memory_space<vmem>>
          %dma_wait3A_175 = arith.constant 0 : i32
          %dma_wait3A_176 = tpu.memref_slice %arg7[%add3A_169, %dma_wait3A_175] : memref<80x64xi32, #tpu.memory_space<vmem>> -> memref<1x64xi32, #tpu.memory_space<vmem>>
          %dma_wait3A_177 = tpu.memref_squeeze %dma_wait3A_176 : memref<1x64xi32, #tpu.memory_space<vmem>> -> memref<64xi32, #tpu.memory_space<vmem>>
          %dma_wait3A_178 = arith.constant 0 : i32
          %dma_wait3A_179 = arith.constant 0 : i32
          %dma_wait3A_180 = tpu.memref_slice %arg2[%dma_wait3A_178, %dma_wait3A_179] : memref<40960x128xf32, #tpu.memory_space<hbm>> -> memref<40960x128xf32, #tpu.memory_space<hbm>>
          tpu.wait_indirect_dma semaphore(%arg12 : memref<!tpu.dma_semaphore, #tpu.memory_space<semaphore_mem>>) src(%dma_wait3A_180 : memref<40960x128xf32, #tpu.memory_space<hbm>>) dst(%dma_wait3A_174 : memref<64x128xf32, #tpu.memory_space<vmem>>)
          %run_scoped3A_181 = arith.constant 0 : i32
          "tpu.region"() ({
            %run_scoped3A_242 = tpu.sem_alloc : memref<!tpu.dma_semaphore, #tpu.memory_space<semaphore_mem>>
            %dma_start3A_243 = arith.constant 0 : i32
            %dma_start3A_244 = arith.constant 0 : i32
            %dma_start3A_245 = tpu.memref_slice %arg9[%run_scoped3A_181, %dma_start3A_243, %dma_start3A_244] : memref<2x64x128xf32, #tpu.memory_space<vmem>> -> memref<1x64x128xf32, #tpu.memory_space<vmem>>
            %dma_start3A_246 = tpu.memref_squeeze %dma_start3A_245 : memref<1x64x128xf32, #tpu.memory_space<vmem>> -> memref<64x128xf32, #tpu.memory_space<vmem>>
            %dma_start3A_247 = arith.constant 0 : i32
            %dma_start3A_248 = tpu.memref_slice %arg8[%add3A_169, %dma_start3A_247] : memref<80x64xi32, #tpu.memory_space<vmem>> -> memref<1x64xi32, #tpu.memory_space<vmem>>
            %dma_start3A_249 = tpu.memref_squeeze %dma_start3A_248 : memref<1x64xi32, #tpu.memory_space<vmem>> -> memref<64xi32, #tpu.memory_space<vmem>>
            %dma_start3A_250 = arith.constant 0 : i32
            %dma_start3A_251 = arith.constant 0 : i32
            %dma_start3A_252 = tpu.memref_slice %arg11[%dma_start3A_250, %dma_start3A_251] : memref<10240x128xf32, #tpu.memory_space<vmem_shared>> -> memref<10240x128xf32, #tpu.memory_space<vmem_shared>>
            tpu.enqueue_indirect_dma source(%dma_start3A_246 : memref<64x128xf32, #tpu.memory_space<vmem>>) target(%dma_start3A_252 : memref<10240x128xf32, #tpu.memory_space<vmem_shared>>) offsets(%dma_start3A_249 : memref<64xi32, #tpu.memory_space<vmem>>) semaphore(%run_scoped3A_242 : memref<!tpu.dma_semaphore, #tpu.memory_space<semaphore_mem>>) {add = true}
            %dma_wait3A_253 = arith.constant 0 : i32
            %dma_wait3A_254 = arith.constant 0 : i32
            %dma_wait3A_255 = tpu.memref_slice %arg9[%run_scoped3A_181, %dma_wait3A_253, %dma_wait3A_254] : memref<2x64x128xf32, #tpu.memory_space<vmem>> -> memref<1x64x128xf32, #tpu.memory_space<vmem>>
            %dma_wait3A_256 = tpu.memref_squeeze %dma_wait3A_255 : memref<1x64x128xf32, #tpu.memory_space<vmem>> -> memref<64x128xf32, #tpu.memory_space<vmem>>
            %dma_wait3A_257 = arith.constant 0 : i32
            %dma_wait3A_258 = tpu.memref_slice %arg8[%add3A_169, %dma_wait3A_257] : memref<80x64xi32, #tpu.memory_space<vmem>> -> memref<1x64xi32, #tpu.memory_space<vmem>>
            %dma_wait3A_259 = tpu.memref_squeeze %dma_wait3A_258 : memref<1x64xi32, #tpu.memory_space<vmem>> -> memref<64xi32, #tpu.memory_space<vmem>>
            %dma_wait3A_260 = arith.constant 0 : i32
            %dma_wait3A_261 = arith.constant 0 : i32
            %dma_wait3A_262 = tpu.memref_slice %arg11[%dma_wait3A_260, %dma_wait3A_261] : memref<10240x128xf32, #tpu.memory_space<vmem_shared>> -> memref<10240x128xf32, #tpu.memory_space<vmem_shared>>
            tpu.wait_indirect_dma semaphore(%run_scoped3A_242 : memref<!tpu.dma_semaphore, #tpu.memory_space<semaphore_mem>>) src(%dma_wait3A_256 : memref<64x128xf32, #tpu.memory_space<vmem>>) dst(%dma_wait3A_262 : memref<10240x128xf32, #tpu.memory_space<vmem_shared>>)
            tpu.yield
          }) : () -> ()
          %add3A_182 = arith.constant 3 : i32
          %add3A_183 = arith.addi %add3A_169, %add3A_182 : i32
          %dma_start3A_184 = arith.constant 0 : i32
          %dma_start3A_185 = arith.constant 0 : i32
          %dma_start3A_186 = arith.constant 0 : i32
          %dma_start3A_187 = tpu.memref_slice %arg9[%dma_start3A_184, %dma_start3A_185, %dma_start3A_186] : memref<2x64x128xf32, #tpu.memory_space<vmem>> -> memref<1x64x128xf32, #tpu.memory_space<vmem>>
          %dma_start3A_188 = tpu.memref_squeeze %dma_start3A_187 : memref<1x64x128xf32, #tpu.memory_space<vmem>> -> memref<64x128xf32, #tpu.memory_space<vmem>>
          %dma_start3A_189 = arith.constant 0 : i32
          %dma_start3A_190 = tpu.memref_slice %arg7[%add3A_183, %dma_start3A_189] : memref<80x64xi32, #tpu.memory_space<vmem>> -> memref<1x64xi32, #tpu.memory_space<vmem>>
          %dma_start3A_191 = tpu.memref_squeeze %dma_start3A_190 : memref<1x64xi32, #tpu.memory_space<vmem>> -> memref<64xi32, #tpu.memory_space<vmem>>
          %dma_start3A_192 = arith.constant 0 : i32
          %dma_start3A_193 = arith.constant 0 : i32
          %dma_start3A_194 = tpu.memref_slice %arg2[%dma_start3A_192, %dma_start3A_193] : memref<40960x128xf32, #tpu.memory_space<hbm>> -> memref<40960x128xf32, #tpu.memory_space<hbm>>
          tpu.enqueue_indirect_dma source(%dma_start3A_194 : memref<40960x128xf32, #tpu.memory_space<hbm>>) target(%dma_start3A_188 : memref<64x128xf32, #tpu.memory_space<vmem>>) offsets(%dma_start3A_191 : memref<64xi32, #tpu.memory_space<vmem>>) semaphore(%arg12 : memref<!tpu.dma_semaphore, #tpu.memory_space<semaphore_mem>>)
          %mul3A_195 = arith.constant 3 : i32
          %mul3A_196 = arith.muli %add3A_165, %mul3A_195 : i32
          %add3A_197 = arith.constant 1 : i32
          %add3A_198 = arith.addi %mul3A_196, %add3A_197 : i32
          %dma_wait3A_199 = arith.constant 1 : i32
          %dma_wait3A_200 = arith.constant 0 : i32
          %dma_wait3A_201 = arith.constant 0 : i32
          %dma_wait3A_202 = tpu.memref_slice %arg9[%dma_wait3A_199, %dma_wait3A_200, %dma_wait3A_201] : memref<2x64x128xf32, #tpu.memory_space<vmem>> -> memref<1x64x128xf32, #tpu.memory_space<vmem>>
          %dma_wait3A_203 = tpu.memref_squeeze %dma_wait3A_202 : memref<1x64x128xf32, #tpu.memory_space<vmem>> -> memref<64x128xf32, #tpu.memory_space<vmem>>
          %dma_wait3A_204 = arith.constant 0 : i32
          %dma_wait3A_205 = tpu.memref_slice %arg7[%add3A_198, %dma_wait3A_204] : memref<80x64xi32, #tpu.memory_space<vmem>> -> memref<1x64xi32, #tpu.memory_space<vmem>>
          %dma_wait3A_206 = tpu.memref_squeeze %dma_wait3A_205 : memref<1x64xi32, #tpu.memory_space<vmem>> -> memref<64xi32, #tpu.memory_space<vmem>>
          %dma_wait3A_207 = arith.constant 0 : i32
          %dma_wait3A_208 = arith.constant 0 : i32
          %dma_wait3A_209 = tpu.memref_slice %arg2[%dma_wait3A_207, %dma_wait3A_208] : memref<40960x128xf32, #tpu.memory_space<hbm>> -> memref<40960x128xf32, #tpu.memory_space<hbm>>
          tpu.wait_indirect_dma semaphore(%arg13 : memref<!tpu.dma_semaphore, #tpu.memory_space<semaphore_mem>>) src(%dma_wait3A_209 : memref<40960x128xf32, #tpu.memory_space<hbm>>) dst(%dma_wait3A_203 : memref<64x128xf32, #tpu.memory_space<vmem>>)
          %run_scoped3A_210 = arith.constant 1 : i32
          "tpu.region"() ({
            %run_scoped3A_242 = tpu.sem_alloc : memref<!tpu.dma_semaphore, #tpu.memory_space<semaphore_mem>>
            %dma_start3A_243 = arith.constant 0 : i32
            %dma_start3A_244 = arith.constant 0 : i32
            %dma_start3A_245 = tpu.memref_slice %arg9[%run_scoped3A_210, %dma_start3A_243, %dma_start3A_244] : memref<2x64x128xf32, #tpu.memory_space<vmem>> -> memref<1x64x128xf32, #tpu.memory_space<vmem>>
            %dma_start3A_246 = tpu.memref_squeeze %dma_start3A_245 : memref<1x64x128xf32, #tpu.memory_space<vmem>> -> memref<64x128xf32, #tpu.memory_space<vmem>>
            %dma_start3A_247 = arith.constant 0 : i32
            %dma_start3A_248 = tpu.memref_slice %arg8[%add3A_198, %dma_start3A_247] : memref<80x64xi32, #tpu.memory_space<vmem>> -> memref<1x64xi32, #tpu.memory_space<vmem>>
            %dma_start3A_249 = tpu.memref_squeeze %dma_start3A_248 : memref<1x64xi32, #tpu.memory_space<vmem>> -> memref<64xi32, #tpu.memory_space<vmem>>
            %dma_start3A_250 = arith.constant 0 : i32
            %dma_start3A_251 = arith.constant 0 : i32
            %dma_start3A_252 = tpu.memref_slice %arg11[%dma_start3A_250, %dma_start3A_251] : memref<10240x128xf32, #tpu.memory_space<vmem_shared>> -> memref<10240x128xf32, #tpu.memory_space<vmem_shared>>
            tpu.enqueue_indirect_dma source(%dma_start3A_246 : memref<64x128xf32, #tpu.memory_space<vmem>>) target(%dma_start3A_252 : memref<10240x128xf32, #tpu.memory_space<vmem_shared>>) offsets(%dma_start3A_249 : memref<64xi32, #tpu.memory_space<vmem>>) semaphore(%run_scoped3A_242 : memref<!tpu.dma_semaphore, #tpu.memory_space<semaphore_mem>>) {add = true}
            %dma_wait3A_253 = arith.constant 0 : i32
            %dma_wait3A_254 = arith.constant 0 : i32
            %dma_wait3A_255 = tpu.memref_slice %arg9[%run_scoped3A_210, %dma_wait3A_253, %dma_wait3A_254] : memref<2x64x128xf32, #tpu.memory_space<vmem>> -> memref<1x64x128xf32, #tpu.memory_space<vmem>>
            %dma_wait3A_256 = tpu.memref_squeeze %dma_wait3A_255 : memref<1x64x128xf32, #tpu.memory_space<vmem>> -> memref<64x128xf32, #tpu.memory_space<vmem>>
            %dma_wait3A_257 = arith.constant 0 : i32
            %dma_wait3A_258 = tpu.memref_slice %arg8[%add3A_198, %dma_wait3A_257] : memref<80x64xi32, #tpu.memory_space<vmem>> -> memref<1x64xi32, #tpu.memory_space<vmem>>
            %dma_wait3A_259 = tpu.memref_squeeze %dma_wait3A_258 : memref<1x64xi32, #tpu.memory_space<vmem>> -> memref<64xi32, #tpu.memory_space<vmem>>
            %dma_wait3A_260 = arith.constant 0 : i32
            %dma_wait3A_261 = arith.constant 0 : i32
            %dma_wait3A_262 = tpu.memref_slice %arg11[%dma_wait3A_260, %dma_wait3A_261] : memref<10240x128xf32, #tpu.memory_space<vmem_shared>> -> memref<10240x128xf32, #tpu.memory_space<vmem_shared>>
            tpu.wait_indirect_dma semaphore(%run_scoped3A_242 : memref<!tpu.dma_semaphore, #tpu.memory_space<semaphore_mem>>) src(%dma_wait3A_256 : memref<64x128xf32, #tpu.memory_space<vmem>>) dst(%dma_wait3A_262 : memref<10240x128xf32, #tpu.memory_space<vmem_shared>>)
            tpu.yield
          }) : () -> ()
          %add3A_211 = arith.constant 3 : i32
          %add3A_212 = arith.addi %add3A_198, %add3A_211 : i32
          %dma_start3A_213 = arith.constant 1 : i32
          %dma_start3A_214 = arith.constant 0 : i32
          %dma_start3A_215 = arith.constant 0 : i32
          %dma_start3A_216 = tpu.memref_slice %arg9[%dma_start3A_213, %dma_start3A_214, %dma_start3A_215] : memref<2x64x128xf32, #tpu.memory_space<vmem>> -> memref<1x64x128xf32, #tpu.memory_space<vmem>>
          %dma_start3A_217 = tpu.memref_squeeze %dma_start3A_216 : memref<1x64x128xf32, #tpu.memory_space<vmem>> -> memref<64x128xf32, #tpu.memory_space<vmem>>
          %dma_start3A_218 = arith.constant 0 : i32
          %dma_start3A_219 = tpu.memref_slice %arg7[%add3A_212, %dma_start3A_218] : memref<80x64xi32, #tpu.memory_space<vmem>> -> memref<1x64xi32, #tpu.memory_space<vmem>>
          %dma_start3A_220 = tpu.memref_squeeze %dma_start3A_219 : memref<1x64xi32, #tpu.memory_space<vmem>> -> memref<64xi32, #tpu.memory_space<vmem>>
          %dma_start3A_221 = arith.constant 0 : i32
          %dma_start3A_222 = arith.constant 0 : i32
          %dma_start3A_223 = tpu.memref_slice %arg2[%dma_start3A_221, %dma_start3A_222] : memref<40960x128xf32, #tpu.memory_space<hbm>> -> memref<40960x128xf32, #tpu.memory_space<hbm>>
          tpu.enqueue_indirect_dma source(%dma_start3A_223 : memref<40960x128xf32, #tpu.memory_space<hbm>>) target(%dma_start3A_217 : memref<64x128xf32, #tpu.memory_space<vmem>>) offsets(%dma_start3A_220 : memref<64xi32, #tpu.memory_space<vmem>>) semaphore(%arg13 : memref<!tpu.dma_semaphore, #tpu.memory_space<semaphore_mem>>)
          %mul3A_224 = arith.constant 3 : i32
          %mul3A_225 = arith.muli %add3A_165, %mul3A_224 : i32
          %add3A_226 = arith.constant 2 : i32
          %add3A_227 = arith.addi %mul3A_225, %add3A_226 : i32
          %dma_wait3A_228 = arith.constant 0 : i32
          %dma_wait3A_229 = tpu.memref_slice %arg7[%add3A_227, %dma_wait3A_228] : memref<80x64xi32, #tpu.memory_space<vmem>> -> memref<1x64xi32, #tpu.memory_space<vmem>>
          %dma_wait3A_230 = tpu.memref_squeeze %dma_wait3A_229 : memref<1x64xi32, #tpu.memory_space<vmem>> -> memref<64xi32, #tpu.memory_space<vmem>>
          %dma_wait3A_231 = arith.constant 0 : i32
          %dma_wait3A_232 = arith.constant 0 : i32
          %dma_wait3A_233 = tpu.memref_slice %arg2[%dma_wait3A_231, %dma_wait3A_232] : memref<40960x128xf32, #tpu.memory_space<hbm>> -> memref<40960x128xf32, #tpu.memory_space<hbm>>
          tpu.wait_indirect_dma semaphore(%arg14 : memref<!tpu.dma_semaphore, #tpu.memory_space<semaphore_mem>>) src(%dma_wait3A_233 : memref<40960x128xf32, #tpu.memory_space<hbm>>) dst(%arg10 : memref<64x128xf32, #tpu.memory_space<vmem>>)
          "tpu.region"() ({
            %run_scoped3A_242 = tpu.sem_alloc : memref<!tpu.dma_semaphore, #tpu.memory_space<semaphore_mem>>
            %dma_start3A_243 = arith.constant 0 : i32
            %dma_start3A_244 = tpu.memref_slice %arg8[%add3A_227, %dma_start3A_243] : memref<80x64xi32, #tpu.memory_space<vmem>> -> memref<1x64xi32, #tpu.memory_space<vmem>>
            %dma_start3A_245 = tpu.memref_squeeze %dma_start3A_244 : memref<1x64xi32, #tpu.memory_space<vmem>> -> memref<64xi32, #tpu.memory_space<vmem>>
            %dma_start3A_246 = arith.constant 0 : i32
            %dma_start3A_247 = arith.constant 0 : i32
            %dma_start3A_248 = tpu.memref_slice %arg11[%dma_start3A_246, %dma_start3A_247] : memref<10240x128xf32, #tpu.memory_space<vmem_shared>> -> memref<10240x128xf32, #tpu.memory_space<vmem_shared>>
            tpu.enqueue_indirect_dma source(%arg10 : memref<64x128xf32, #tpu.memory_space<vmem>>) target(%dma_start3A_248 : memref<10240x128xf32, #tpu.memory_space<vmem_shared>>) offsets(%dma_start3A_245 : memref<64xi32, #tpu.memory_space<vmem>>) semaphore(%run_scoped3A_242 : memref<!tpu.dma_semaphore, #tpu.memory_space<semaphore_mem>>) {add = true}
            %dma_wait3A_249 = arith.constant 0 : i32
            %dma_wait3A_250 = tpu.memref_slice %arg8[%add3A_227, %dma_wait3A_249] : memref<80x64xi32, #tpu.memory_space<vmem>> -> memref<1x64xi32, #tpu.memory_space<vmem>>
            %dma_wait3A_251 = tpu.memref_squeeze %dma_wait3A_250 : memref<1x64xi32, #tpu.memory_space<vmem>> -> memref<64xi32, #tpu.memory_space<vmem>>
            %dma_wait3A_252 = arith.constant 0 : i32
            %dma_wait3A_253 = arith.constant 0 : i32
            %dma_wait3A_254 = tpu.memref_slice %arg11[%dma_wait3A_252, %dma_wait3A_253] : memref<10240x128xf32, #tpu.memory_space<vmem_shared>> -> memref<10240x128xf32, #tpu.memory_space<vmem_shared>>
            tpu.wait_indirect_dma semaphore(%run_scoped3A_242 : memref<!tpu.dma_semaphore, #tpu.memory_space<semaphore_mem>>) src(%arg10 : memref<64x128xf32, #tpu.memory_space<vmem>>) dst(%dma_wait3A_254 : memref<10240x128xf32, #tpu.memory_space<vmem_shared>>)
            tpu.yield
          }) : () -> ()
          %add3A_234 = arith.constant 3 : i32
          %add3A_235 = arith.addi %add3A_227, %add3A_234 : i32
          %dma_start3A_236 = arith.constant 0 : i32
          %dma_start3A_237 = tpu.memref_slice %arg7[%add3A_235, %dma_start3A_236] : memref<80x64xi32, #tpu.memory_space<vmem>> -> memref<1x64xi32, #tpu.memory_space<vmem>>
          %dma_start3A_238 = tpu.memref_squeeze %dma_start3A_237 : memref<1x64xi32, #tpu.memory_space<vmem>> -> memref<64xi32, #tpu.memory_space<vmem>>
          %dma_start3A_239 = arith.constant 0 : i32
          %dma_start3A_240 = arith.constant 0 : i32
          %dma_start3A_241 = tpu.memref_slice %arg2[%dma_start3A_239, %dma_start3A_240] : memref<40960x128xf32, #tpu.memory_space<hbm>> -> memref<40960x128xf32, #tpu.memory_space<hbm>>
          tpu.enqueue_indirect_dma source(%dma_start3A_241 : memref<40960x128xf32, #tpu.memory_space<hbm>>) target(%arg10 : memref<64x128xf32, #tpu.memory_space<vmem>>) offsets(%dma_start3A_238 : memref<64xi32, #tpu.memory_space<vmem>>) semaphore(%arg14 : memref<!tpu.dma_semaphore, #tpu.memory_space<semaphore_mem>>)
        }
        %scan3A_74 = arith.constant 25 : i32
        %dma_wait3A = arith.constant 75 : i32
        %dma_wait3A_75 = arith.constant 0 : i32
        %dma_wait3A_76 = arith.constant 0 : i32
        %dma_wait3A_77 = arith.constant 0 : i32
        %dma_wait3A_78 = tpu.memref_slice %arg9[%dma_wait3A_75, %dma_wait3A_76, %dma_wait3A_77] : memref<2x64x128xf32, #tpu.memory_space<vmem>> -> memref<1x64x128xf32, #tpu.memory_space<vmem>>
        %dma_wait3A_79 = tpu.memref_squeeze %dma_wait3A_78 : memref<1x64x128xf32, #tpu.memory_space<vmem>> -> memref<64x128xf32, #tpu.memory_space<vmem>>
        %dma_wait3A_80 = arith.constant 0 : i32
        %dma_wait3A_81 = tpu.memref_slice %arg7[%dma_wait3A, %dma_wait3A_80] : memref<80x64xi32, #tpu.memory_space<vmem>> -> memref<1x64xi32, #tpu.memory_space<vmem>>
        %dma_wait3A_82 = tpu.memref_squeeze %dma_wait3A_81 : memref<1x64xi32, #tpu.memory_space<vmem>> -> memref<64xi32, #tpu.memory_space<vmem>>
        %dma_wait3A_83 = arith.constant 0 : i32
        %dma_wait3A_84 = arith.constant 0 : i32
        %dma_wait3A_85 = tpu.memref_slice %arg2[%dma_wait3A_83, %dma_wait3A_84] : memref<40960x128xf32, #tpu.memory_space<hbm>> -> memref<40960x128xf32, #tpu.memory_space<hbm>>
        tpu.wait_indirect_dma semaphore(%arg12 : memref<!tpu.dma_semaphore, #tpu.memory_space<semaphore_mem>>) src(%dma_wait3A_85 : memref<40960x128xf32, #tpu.memory_space<hbm>>) dst(%dma_wait3A_79 : memref<64x128xf32, #tpu.memory_space<vmem>>)
        %run_scoped3A = arith.constant 0 : i32
        %run_scoped3A_86 = arith.constant 75 : i32
        "tpu.region"() ({
          %run_scoped3A_161 = tpu.sem_alloc : memref<!tpu.dma_semaphore, #tpu.memory_space<semaphore_mem>>
          %dma_start3A_162 = arith.constant 0 : i32
          %dma_start3A_163 = arith.constant 0 : i32
          %dma_start3A_164 = tpu.memref_slice %arg9[%run_scoped3A, %dma_start3A_162, %dma_start3A_163] : memref<2x64x128xf32, #tpu.memory_space<vmem>> -> memref<1x64x128xf32, #tpu.memory_space<vmem>>
          %dma_start3A_165 = tpu.memref_squeeze %dma_start3A_164 : memref<1x64x128xf32, #tpu.memory_space<vmem>> -> memref<64x128xf32, #tpu.memory_space<vmem>>
          %dma_start3A_166 = arith.constant 0 : i32
          %dma_start3A_167 = tpu.memref_slice %arg8[%run_scoped3A_86, %dma_start3A_166] : memref<80x64xi32, #tpu.memory_space<vmem>> -> memref<1x64xi32, #tpu.memory_space<vmem>>
          %dma_start3A_168 = tpu.memref_squeeze %dma_start3A_167 : memref<1x64xi32, #tpu.memory_space<vmem>> -> memref<64xi32, #tpu.memory_space<vmem>>
          %dma_start3A_169 = arith.constant 0 : i32
          %dma_start3A_170 = arith.constant 0 : i32
          %dma_start3A_171 = tpu.memref_slice %arg11[%dma_start3A_169, %dma_start3A_170] : memref<10240x128xf32, #tpu.memory_space<vmem_shared>> -> memref<10240x128xf32, #tpu.memory_space<vmem_shared>>
          tpu.enqueue_indirect_dma source(%dma_start3A_165 : memref<64x128xf32, #tpu.memory_space<vmem>>) target(%dma_start3A_171 : memref<10240x128xf32, #tpu.memory_space<vmem_shared>>) offsets(%dma_start3A_168 : memref<64xi32, #tpu.memory_space<vmem>>) semaphore(%run_scoped3A_161 : memref<!tpu.dma_semaphore, #tpu.memory_space<semaphore_mem>>) {add = true}
          %dma_wait3A_172 = arith.constant 0 : i32
          %dma_wait3A_173 = arith.constant 0 : i32
          %dma_wait3A_174 = tpu.memref_slice %arg9[%run_scoped3A, %dma_wait3A_172, %dma_wait3A_173] : memref<2x64x128xf32, #tpu.memory_space<vmem>> -> memref<1x64x128xf32, #tpu.memory_space<vmem>>
          %dma_wait3A_175 = tpu.memref_squeeze %dma_wait3A_174 : memref<1x64x128xf32, #tpu.memory_space<vmem>> -> memref<64x128xf32, #tpu.memory_space<vmem>>
          %dma_wait3A_176 = arith.constant 0 : i32
          %dma_wait3A_177 = tpu.memref_slice %arg8[%run_scoped3A_86, %dma_wait3A_176] : memref<80x64xi32, #tpu.memory_space<vmem>> -> memref<1x64xi32, #tpu.memory_space<vmem>>
          %dma_wait3A_178 = tpu.memref_squeeze %dma_wait3A_177 : memref<1x64xi32, #tpu.memory_space<vmem>> -> memref<64xi32, #tpu.memory_space<vmem>>
          %dma_wait3A_179 = arith.constant 0 : i32
          %dma_wait3A_180 = arith.constant 0 : i32
          %dma_wait3A_181 = tpu.memref_slice %arg11[%dma_wait3A_179, %dma_wait3A_180] : memref<10240x128xf32, #tpu.memory_space<vmem_shared>> -> memref<10240x128xf32, #tpu.memory_space<vmem_shared>>
          tpu.wait_indirect_dma semaphore(%run_scoped3A_161 : memref<!tpu.dma_semaphore, #tpu.memory_space<semaphore_mem>>) src(%dma_wait3A_175 : memref<64x128xf32, #tpu.memory_space<vmem>>) dst(%dma_wait3A_181 : memref<10240x128xf32, #tpu.memory_space<vmem_shared>>)
          tpu.yield
        }) : () -> ()
        %dma_start3A_87 = arith.constant 78 : i32
        %dma_start3A_88 = arith.constant 0 : i32
        %dma_start3A_89 = arith.constant 0 : i32
        %dma_start3A_90 = arith.constant 0 : i32
        %dma_start3A_91 = tpu.memref_slice %arg9[%dma_start3A_88, %dma_start3A_89, %dma_start3A_90] : memref<2x64x128xf32, #tpu.memory_space<vmem>> -> memref<1x64x128xf32, #tpu.memory_space<vmem>>
        %dma_start3A_92 = tpu.memref_squeeze %dma_start3A_91 : memref<1x64x128xf32, #tpu.memory_space<vmem>> -> memref<64x128xf32, #tpu.memory_space<vmem>>
        %dma_start3A_93 = arith.constant 0 : i32
        %dma_start3A_94 = tpu.memref_slice %arg7[%dma_start3A_87, %dma_start3A_93] : memref<80x64xi32, #tpu.memory_space<vmem>> -> memref<1x64xi32, #tpu.memory_space<vmem>>
        %dma_start3A_95 = tpu.memref_squeeze %dma_start3A_94 : memref<1x64xi32, #tpu.memory_space<vmem>> -> memref<64xi32, #tpu.memory_space<vmem>>
        %dma_start3A_96 = arith.constant 0 : i32
        %dma_start3A_97 = arith.constant 0 : i32
        %dma_start3A_98 = tpu.memref_slice %arg2[%dma_start3A_96, %dma_start3A_97] : memref<40960x128xf32, #tpu.memory_space<hbm>> -> memref<40960x128xf32, #tpu.memory_space<hbm>>
        tpu.enqueue_indirect_dma source(%dma_start3A_98 : memref<40960x128xf32, #tpu.memory_space<hbm>>) target(%dma_start3A_92 : memref<64x128xf32, #tpu.memory_space<vmem>>) offsets(%dma_start3A_95 : memref<64xi32, #tpu.memory_space<vmem>>) semaphore(%arg12 : memref<!tpu.dma_semaphore, #tpu.memory_space<semaphore_mem>>)
        %dma_wait3A_99 = arith.constant 76 : i32
        %dma_wait3A_100 = arith.constant 1 : i32
        %dma_wait3A_101 = arith.constant 0 : i32
        %dma_wait3A_102 = arith.constant 0 : i32
        %dma_wait3A_103 = tpu.memref_slice %arg9[%dma_wait3A_100, %dma_wait3A_101, %dma_wait3A_102] : memref<2x64x128xf32, #tpu.memory_space<vmem>> -> memref<1x64x128xf32, #tpu.memory_space<vmem>>
        %dma_wait3A_104 = tpu.memref_squeeze %dma_wait3A_103 : memref<1x64x128xf32, #tpu.memory_space<vmem>> -> memref<64x128xf32, #tpu.memory_space<vmem>>
        %dma_wait3A_105 = arith.constant 0 : i32
        %dma_wait3A_106 = tpu.memref_slice %arg7[%dma_wait3A_99, %dma_wait3A_105] : memref<80x64xi32, #tpu.memory_space<vmem>> -> memref<1x64xi32, #tpu.memory_space<vmem>>
        %dma_wait3A_107 = tpu.memref_squeeze %dma_wait3A_106 : memref<1x64xi32, #tpu.memory_space<vmem>> -> memref<64xi32, #tpu.memory_space<vmem>>
        %dma_wait3A_108 = arith.constant 0 : i32
        %dma_wait3A_109 = arith.constant 0 : i32
        %dma_wait3A_110 = tpu.memref_slice %arg2[%dma_wait3A_108, %dma_wait3A_109] : memref<40960x128xf32, #tpu.memory_space<hbm>> -> memref<40960x128xf32, #tpu.memory_space<hbm>>
        tpu.wait_indirect_dma semaphore(%arg13 : memref<!tpu.dma_semaphore, #tpu.memory_space<semaphore_mem>>) src(%dma_wait3A_110 : memref<40960x128xf32, #tpu.memory_space<hbm>>) dst(%dma_wait3A_104 : memref<64x128xf32, #tpu.memory_space<vmem>>)
        %run_scoped3A_111 = arith.constant 1 : i32
        %run_scoped3A_112 = arith.constant 76 : i32
        "tpu.region"() ({
          %run_scoped3A_161 = tpu.sem_alloc : memref<!tpu.dma_semaphore, #tpu.memory_space<semaphore_mem>>
          %dma_start3A_162 = arith.constant 0 : i32
          %dma_start3A_163 = arith.constant 0 : i32
          %dma_start3A_164 = tpu.memref_slice %arg9[%run_scoped3A_111, %dma_start3A_162, %dma_start3A_163] : memref<2x64x128xf32, #tpu.memory_space<vmem>> -> memref<1x64x128xf32, #tpu.memory_space<vmem>>
          %dma_start3A_165 = tpu.memref_squeeze %dma_start3A_164 : memref<1x64x128xf32, #tpu.memory_space<vmem>> -> memref<64x128xf32, #tpu.memory_space<vmem>>
          %dma_start3A_166 = arith.constant 0 : i32
          %dma_start3A_167 = tpu.memref_slice %arg8[%run_scoped3A_112, %dma_start3A_166] : memref<80x64xi32, #tpu.memory_space<vmem>> -> memref<1x64xi32, #tpu.memory_space<vmem>>
          %dma_start3A_168 = tpu.memref_squeeze %dma_start3A_167 : memref<1x64xi32, #tpu.memory_space<vmem>> -> memref<64xi32, #tpu.memory_space<vmem>>
          %dma_start3A_169 = arith.constant 0 : i32
          %dma_start3A_170 = arith.constant 0 : i32
          %dma_start3A_171 = tpu.memref_slice %arg11[%dma_start3A_169, %dma_start3A_170] : memref<10240x128xf32, #tpu.memory_space<vmem_shared>> -> memref<10240x128xf32, #tpu.memory_space<vmem_shared>>
          tpu.enqueue_indirect_dma source(%dma_start3A_165 : memref<64x128xf32, #tpu.memory_space<vmem>>) target(%dma_start3A_171 : memref<10240x128xf32, #tpu.memory_space<vmem_shared>>) offsets(%dma_start3A_168 : memref<64xi32, #tpu.memory_space<vmem>>) semaphore(%run_scoped3A_161 : memref<!tpu.dma_semaphore, #tpu.memory_space<semaphore_mem>>) {add = true}
          %dma_wait3A_172 = arith.constant 0 : i32
          %dma_wait3A_173 = arith.constant 0 : i32
          %dma_wait3A_174 = tpu.memref_slice %arg9[%run_scoped3A_111, %dma_wait3A_172, %dma_wait3A_173] : memref<2x64x128xf32, #tpu.memory_space<vmem>> -> memref<1x64x128xf32, #tpu.memory_space<vmem>>
          %dma_wait3A_175 = tpu.memref_squeeze %dma_wait3A_174 : memref<1x64x128xf32, #tpu.memory_space<vmem>> -> memref<64x128xf32, #tpu.memory_space<vmem>>
          %dma_wait3A_176 = arith.constant 0 : i32
          %dma_wait3A_177 = tpu.memref_slice %arg8[%run_scoped3A_112, %dma_wait3A_176] : memref<80x64xi32, #tpu.memory_space<vmem>> -> memref<1x64xi32, #tpu.memory_space<vmem>>
          %dma_wait3A_178 = tpu.memref_squeeze %dma_wait3A_177 : memref<1x64xi32, #tpu.memory_space<vmem>> -> memref<64xi32, #tpu.memory_space<vmem>>
          %dma_wait3A_179 = arith.constant 0 : i32
          %dma_wait3A_180 = arith.constant 0 : i32
          %dma_wait3A_181 = tpu.memref_slice %arg11[%dma_wait3A_179, %dma_wait3A_180] : memref<10240x128xf32, #tpu.memory_space<vmem_shared>> -> memref<10240x128xf32, #tpu.memory_space<vmem_shared>>
          tpu.wait_indirect_dma semaphore(%run_scoped3A_161 : memref<!tpu.dma_semaphore, #tpu.memory_space<semaphore_mem>>) src(%dma_wait3A_175 : memref<64x128xf32, #tpu.memory_space<vmem>>) dst(%dma_wait3A_181 : memref<10240x128xf32, #tpu.memory_space<vmem_shared>>)
          tpu.yield
        }) : () -> ()
        %dma_start3A_113 = arith.constant 79 : i32
        %dma_start3A_114 = arith.constant 1 : i32
        %dma_start3A_115 = arith.constant 0 : i32
        %dma_start3A_116 = arith.constant 0 : i32
        %dma_start3A_117 = tpu.memref_slice %arg9[%dma_start3A_114, %dma_start3A_115, %dma_start3A_116] : memref<2x64x128xf32, #tpu.memory_space<vmem>> -> memref<1x64x128xf32, #tpu.memory_space<vmem>>
        %dma_start3A_118 = tpu.memref_squeeze %dma_start3A_117 : memref<1x64x128xf32, #tpu.memory_space<vmem>> -> memref<64x128xf32, #tpu.memory_space<vmem>>
        %dma_start3A_119 = arith.constant 0 : i32
        %dma_start3A_120 = tpu.memref_slice %arg7[%dma_start3A_113, %dma_start3A_119] : memref<80x64xi32, #tpu.memory_space<vmem>> -> memref<1x64xi32, #tpu.memory_space<vmem>>
        %dma_start3A_121 = tpu.memref_squeeze %dma_start3A_120 : memref<1x64xi32, #tpu.memory_space<vmem>> -> memref<64xi32, #tpu.memory_space<vmem>>
        %dma_start3A_122 = arith.constant 0 : i32
        %dma_start3A_123 = arith.constant 0 : i32
        %dma_start3A_124 = tpu.memref_slice %arg2[%dma_start3A_122, %dma_start3A_123] : memref<40960x128xf32, #tpu.memory_space<hbm>> -> memref<40960x128xf32, #tpu.memory_space<hbm>>
        tpu.enqueue_indirect_dma source(%dma_start3A_124 : memref<40960x128xf32, #tpu.memory_space<hbm>>) target(%dma_start3A_118 : memref<64x128xf32, #tpu.memory_space<vmem>>) offsets(%dma_start3A_121 : memref<64xi32, #tpu.memory_space<vmem>>) semaphore(%arg13 : memref<!tpu.dma_semaphore, #tpu.memory_space<semaphore_mem>>)
        %dma_wait3A_125 = arith.constant 77 : i32
        %dma_wait3A_126 = arith.constant 0 : i32
        %dma_wait3A_127 = tpu.memref_slice %arg7[%dma_wait3A_125, %dma_wait3A_126] : memref<80x64xi32, #tpu.memory_space<vmem>> -> memref<1x64xi32, #tpu.memory_space<vmem>>
        %dma_wait3A_128 = tpu.memref_squeeze %dma_wait3A_127 : memref<1x64xi32, #tpu.memory_space<vmem>> -> memref<64xi32, #tpu.memory_space<vmem>>
        %dma_wait3A_129 = arith.constant 0 : i32
        %dma_wait3A_130 = arith.constant 0 : i32
        %dma_wait3A_131 = tpu.memref_slice %arg2[%dma_wait3A_129, %dma_wait3A_130] : memref<40960x128xf32, #tpu.memory_space<hbm>> -> memref<40960x128xf32, #tpu.memory_space<hbm>>
        tpu.wait_indirect_dma semaphore(%arg14 : memref<!tpu.dma_semaphore, #tpu.memory_space<semaphore_mem>>) src(%dma_wait3A_131 : memref<40960x128xf32, #tpu.memory_space<hbm>>) dst(%arg10 : memref<64x128xf32, #tpu.memory_space<vmem>>)
        %run_scoped3A_132 = arith.constant 77 : i32
        "tpu.region"() ({
          %run_scoped3A_161 = tpu.sem_alloc : memref<!tpu.dma_semaphore, #tpu.memory_space<semaphore_mem>>
          %dma_start3A_162 = arith.constant 0 : i32
          %dma_start3A_163 = tpu.memref_slice %arg8[%run_scoped3A_132, %dma_start3A_162] : memref<80x64xi32, #tpu.memory_space<vmem>> -> memref<1x64xi32, #tpu.memory_space<vmem>>
          %dma_start3A_164 = tpu.memref_squeeze %dma_start3A_163 : memref<1x64xi32, #tpu.memory_space<vmem>> -> memref<64xi32, #tpu.memory_space<vmem>>
          %dma_start3A_165 = arith.constant 0 : i32
          %dma_start3A_166 = arith.constant 0 : i32
          %dma_start3A_167 = tpu.memref_slice %arg11[%dma_start3A_165, %dma_start3A_166] : memref<10240x128xf32, #tpu.memory_space<vmem_shared>> -> memref<10240x128xf32, #tpu.memory_space<vmem_shared>>
          tpu.enqueue_indirect_dma source(%arg10 : memref<64x128xf32, #tpu.memory_space<vmem>>) target(%dma_start3A_167 : memref<10240x128xf32, #tpu.memory_space<vmem_shared>>) offsets(%dma_start3A_164 : memref<64xi32, #tpu.memory_space<vmem>>) semaphore(%run_scoped3A_161 : memref<!tpu.dma_semaphore, #tpu.memory_space<semaphore_mem>>) {add = true}
          %dma_wait3A_168 = arith.constant 0 : i32
          %dma_wait3A_169 = tpu.memref_slice %arg8[%run_scoped3A_132, %dma_wait3A_168] : memref<80x64xi32, #tpu.memory_space<vmem>> -> memref<1x64xi32, #tpu.memory_space<vmem>>
          %dma_wait3A_170 = tpu.memref_squeeze %dma_wait3A_169 : memref<1x64xi32, #tpu.memory_space<vmem>> -> memref<64xi32, #tpu.memory_space<vmem>>
          %dma_wait3A_171 = arith.constant 0 : i32
          %dma_wait3A_172 = arith.constant 0 : i32
          %dma_wait3A_173 = tpu.memref_slice %arg11[%dma_wait3A_171, %dma_wait3A_172] : memref<10240x128xf32, #tpu.memory_space<vmem_shared>> -> memref<10240x128xf32, #tpu.memory_space<vmem_shared>>
          tpu.wait_indirect_dma semaphore(%run_scoped3A_161 : memref<!tpu.dma_semaphore, #tpu.memory_space<semaphore_mem>>) src(%arg10 : memref<64x128xf32, #tpu.memory_space<vmem>>) dst(%dma_wait3A_173 : memref<10240x128xf32, #tpu.memory_space<vmem_shared>>)
          tpu.yield
        }) : () -> ()
        %dma_wait3A_133 = arith.constant 78 : i32
        %dma_wait3A_134 = arith.constant 0 : i32
        %dma_wait3A_135 = arith.constant 0 : i32
        %dma_wait3A_136 = arith.constant 0 : i32
        %dma_wait3A_137 = tpu.memref_slice %arg9[%dma_wait3A_134, %dma_wait3A_135, %dma_wait3A_136] : memref<2x64x128xf32, #tpu.memory_space<vmem>> -> memref<1x64x128xf32, #tpu.memory_space<vmem>>
        %dma_wait3A_138 = tpu.memref_squeeze %dma_wait3A_137 : memref<1x64x128xf32, #tpu.memory_space<vmem>> -> memref<64x128xf32, #tpu.memory_space<vmem>>
        %dma_wait3A_139 = arith.constant 0 : i32
        %dma_wait3A_140 = tpu.memref_slice %arg7[%dma_wait3A_133, %dma_wait3A_139] : memref<80x64xi32, #tpu.memory_space<vmem>> -> memref<1x64xi32, #tpu.memory_space<vmem>>
        %dma_wait3A_141 = tpu.memref_squeeze %dma_wait3A_140 : memref<1x64xi32, #tpu.memory_space<vmem>> -> memref<64xi32, #tpu.memory_space<vmem>>
        %dma_wait3A_142 = arith.constant 0 : i32
        %dma_wait3A_143 = arith.constant 0 : i32
        %dma_wait3A_144 = tpu.memref_slice %arg2[%dma_wait3A_142, %dma_wait3A_143] : memref<40960x128xf32, #tpu.memory_space<hbm>> -> memref<40960x128xf32, #tpu.memory_space<hbm>>
        tpu.wait_indirect_dma semaphore(%arg12 : memref<!tpu.dma_semaphore, #tpu.memory_space<semaphore_mem>>) src(%dma_wait3A_144 : memref<40960x128xf32, #tpu.memory_space<hbm>>) dst(%dma_wait3A_138 : memref<64x128xf32, #tpu.memory_space<vmem>>)
        %run_scoped3A_145 = arith.constant 0 : i32
        %run_scoped3A_146 = arith.constant 78 : i32
        "tpu.region"() ({
          %run_scoped3A_161 = tpu.sem_alloc : memref<!tpu.dma_semaphore, #tpu.memory_space<semaphore_mem>>
          %dma_start3A_162 = arith.constant 0 : i32
          %dma_start3A_163 = arith.constant 0 : i32
          %dma_start3A_164 = tpu.memref_slice %arg9[%run_scoped3A_145, %dma_start3A_162, %dma_start3A_163] : memref<2x64x128xf32, #tpu.memory_space<vmem>> -> memref<1x64x128xf32, #tpu.memory_space<vmem>>
          %dma_start3A_165 = tpu.memref_squeeze %dma_start3A_164 : memref<1x64x128xf32, #tpu.memory_space<vmem>> -> memref<64x128xf32, #tpu.memory_space<vmem>>
          %dma_start3A_166 = arith.constant 0 : i32
          %dma_start3A_167 = tpu.memref_slice %arg8[%run_scoped3A_146, %dma_start3A_166] : memref<80x64xi32, #tpu.memory_space<vmem>> -> memref<1x64xi32, #tpu.memory_space<vmem>>
          %dma_start3A_168 = tpu.memref_squeeze %dma_start3A_167 : memref<1x64xi32, #tpu.memory_space<vmem>> -> memref<64xi32, #tpu.memory_space<vmem>>
          %dma_start3A_169 = arith.constant 0 : i32
          %dma_start3A_170 = arith.constant 0 : i32
          %dma_start3A_171 = tpu.memref_slice %arg11[%dma_start3A_169, %dma_start3A_170] : memref<10240x128xf32, #tpu.memory_space<vmem_shared>> -> memref<10240x128xf32, #tpu.memory_space<vmem_shared>>
          tpu.enqueue_indirect_dma source(%dma_start3A_165 : memref<64x128xf32, #tpu.memory_space<vmem>>) target(%dma_start3A_171 : memref<10240x128xf32, #tpu.memory_space<vmem_shared>>) offsets(%dma_start3A_168 : memref<64xi32, #tpu.memory_space<vmem>>) semaphore(%run_scoped3A_161 : memref<!tpu.dma_semaphore, #tpu.memory_space<semaphore_mem>>) {add = true}
          %dma_wait3A_172 = arith.constant 0 : i32
          %dma_wait3A_173 = arith.constant 0 : i32
          %dma_wait3A_174 = tpu.memref_slice %arg9[%run_scoped3A_145, %dma_wait3A_172, %dma_wait3A_173] : memref<2x64x128xf32, #tpu.memory_space<vmem>> -> memref<1x64x128xf32, #tpu.memory_space<vmem>>
          %dma_wait3A_175 = tpu.memref_squeeze %dma_wait3A_174 : memref<1x64x128xf32, #tpu.memory_space<vmem>> -> memref<64x128xf32, #tpu.memory_space<vmem>>
          %dma_wait3A_176 = arith.constant 0 : i32
          %dma_wait3A_177 = tpu.memref_slice %arg8[%run_scoped3A_146, %dma_wait3A_176] : memref<80x64xi32, #tpu.memory_space<vmem>> -> memref<1x64xi32, #tpu.memory_space<vmem>>
          %dma_wait3A_178 = tpu.memref_squeeze %dma_wait3A_177 : memref<1x64xi32, #tpu.memory_space<vmem>> -> memref<64xi32, #tpu.memory_space<vmem>>
          %dma_wait3A_179 = arith.constant 0 : i32
          %dma_wait3A_180 = arith.constant 0 : i32
          %dma_wait3A_181 = tpu.memref_slice %arg11[%dma_wait3A_179, %dma_wait3A_180] : memref<10240x128xf32, #tpu.memory_space<vmem_shared>> -> memref<10240x128xf32, #tpu.memory_space<vmem_shared>>
          tpu.wait_indirect_dma semaphore(%run_scoped3A_161 : memref<!tpu.dma_semaphore, #tpu.memory_space<semaphore_mem>>) src(%dma_wait3A_175 : memref<64x128xf32, #tpu.memory_space<vmem>>) dst(%dma_wait3A_181 : memref<10240x128xf32, #tpu.memory_space<vmem_shared>>)
          tpu.yield
        }) : () -> ()
        %dma_wait3A_147 = arith.constant 79 : i32
        %dma_wait3A_148 = arith.constant 1 : i32
        %dma_wait3A_149 = arith.constant 0 : i32
        %dma_wait3A_150 = arith.constant 0 : i32
        %dma_wait3A_151 = tpu.memref_slice %arg9[%dma_wait3A_148, %dma_wait3A_149, %dma_wait3A_150] : memref<2x64x128xf32, #tpu.memory_space<vmem>> -> memref<1x64x128xf32, #tpu.memory_space<vmem>>
        %dma_wait3A_152 = tpu.memref_squeeze %dma_wait3A_151 : memref<1x64x128xf32, #tpu.memory_space<vmem>> -> memref<64x128xf32, #tpu.memory_space<vmem>>
        %dma_wait3A_153 = arith.constant 0 : i32
        %dma_wait3A_154 = tpu.memref_slice %arg7[%dma_wait3A_147, %dma_wait3A_153] : memref<80x64xi32, #tpu.memory_space<vmem>> -> memref<1x64xi32, #tpu.memory_space<vmem>>
        %dma_wait3A_155 = tpu.memref_squeeze %dma_wait3A_154 : memref<1x64xi32, #tpu.memory_space<vmem>> -> memref<64xi32, #tpu.memory_space<vmem>>
        %dma_wait3A_156 = arith.constant 0 : i32
        %dma_wait3A_157 = arith.constant 0 : i32
        %dma_wait3A_158 = tpu.memref_slice %arg2[%dma_wait3A_156, %dma_wait3A_157] : memref<40960x128xf32, #tpu.memory_space<hbm>> -> memref<40960x128xf32, #tpu.memory_space<hbm>>
        tpu.wait_indirect_dma semaphore(%arg13 : memref<!tpu.dma_semaphore, #tpu.memory_space<semaphore_mem>>) src(%dma_wait3A_158 : memref<40960x128xf32, #tpu.memory_space<hbm>>) dst(%dma_wait3A_152 : memref<64x128xf32, #tpu.memory_space<vmem>>)
        %run_scoped3A_159 = arith.constant 1 : i32
        %run_scoped3A_160 = arith.constant 79 : i32
        "tpu.region"() ({
          %run_scoped3A_161 = tpu.sem_alloc : memref<!tpu.dma_semaphore, #tpu.memory_space<semaphore_mem>>
          %dma_start3A_162 = arith.constant 0 : i32
          %dma_start3A_163 = arith.constant 0 : i32
          %dma_start3A_164 = tpu.memref_slice %arg9[%run_scoped3A_159, %dma_start3A_162, %dma_start3A_163] : memref<2x64x128xf32, #tpu.memory_space<vmem>> -> memref<1x64x128xf32, #tpu.memory_space<vmem>>
          %dma_start3A_165 = tpu.memref_squeeze %dma_start3A_164 : memref<1x64x128xf32, #tpu.memory_space<vmem>> -> memref<64x128xf32, #tpu.memory_space<vmem>>
          %dma_start3A_166 = arith.constant 0 : i32
          %dma_start3A_167 = tpu.memref_slice %arg8[%run_scoped3A_160, %dma_start3A_166] : memref<80x64xi32, #tpu.memory_space<vmem>> -> memref<1x64xi32, #tpu.memory_space<vmem>>
          %dma_start3A_168 = tpu.memref_squeeze %dma_start3A_167 : memref<1x64xi32, #tpu.memory_space<vmem>> -> memref<64xi32, #tpu.memory_space<vmem>>
          %dma_start3A_169 = arith.constant 0 : i32
          %dma_start3A_170 = arith.constant 0 : i32
          %dma_start3A_171 = tpu.memref_slice %arg11[%dma_start3A_169, %dma_start3A_170] : memref<10240x128xf32, #tpu.memory_space<vmem_shared>> -> memref<10240x128xf32, #tpu.memory_space<vmem_shared>>
          tpu.enqueue_indirect_dma source(%dma_start3A_165 : memref<64x128xf32, #tpu.memory_space<vmem>>) target(%dma_start3A_171 : memref<10240x128xf32, #tpu.memory_space<vmem_shared>>) offsets(%dma_start3A_168 : memref<64xi32, #tpu.memory_space<vmem>>) semaphore(%run_scoped3A_161 : memref<!tpu.dma_semaphore, #tpu.memory_space<semaphore_mem>>) {add = true}
          %dma_wait3A_172 = arith.constant 0 : i32
          %dma_wait3A_173 = arith.constant 0 : i32
          %dma_wait3A_174 = tpu.memref_slice %arg9[%run_scoped3A_159, %dma_wait3A_172, %dma_wait3A_173] : memref<2x64x128xf32, #tpu.memory_space<vmem>> -> memref<1x64x128xf32, #tpu.memory_space<vmem>>
          %dma_wait3A_175 = tpu.memref_squeeze %dma_wait3A_174 : memref<1x64x128xf32, #tpu.memory_space<vmem>> -> memref<64x128xf32, #tpu.memory_space<vmem>>
          %dma_wait3A_176 = arith.constant 0 : i32
          %dma_wait3A_177 = tpu.memref_slice %arg8[%run_scoped3A_160, %dma_wait3A_176] : memref<80x64xi32, #tpu.memory_space<vmem>> -> memref<1x64xi32, #tpu.memory_space<vmem>>
          %dma_wait3A_178 = tpu.memref_squeeze %dma_wait3A_177 : memref<1x64xi32, #tpu.memory_space<vmem>> -> memref<64xi32, #tpu.memory_space<vmem>>
          %dma_wait3A_179 = arith.constant 0 : i32
          %dma_wait3A_180 = arith.constant 0 : i32
          %dma_wait3A_181 = tpu.memref_slice %arg11[%dma_wait3A_179, %dma_wait3A_180] : memref<10240x128xf32, #tpu.memory_space<vmem_shared>> -> memref<10240x128xf32, #tpu.memory_space<vmem_shared>>
          tpu.wait_indirect_dma semaphore(%run_scoped3A_161 : memref<!tpu.dma_semaphore, #tpu.memory_space<semaphore_mem>>) src(%dma_wait3A_175 : memref<64x128xf32, #tpu.memory_space<vmem>>) dst(%dma_wait3A_181 : memref<10240x128xf32, #tpu.memory_space<vmem_shared>>)
          tpu.yield
        }) : () -> ()
      }
      %scan3A_16 = arith.constant 2 : i32
      %barrier3A_17 = arith.constant 0 : index
      tpu.barrier barrier_id(%barrier3A_17)
      %mul3A_18 = arith.constant 640 : i32
      %mul3A_19 = arith.muli %arg1, %mul3A_18 : i32
      %mul3A_20 = arith.constant 10240 : i32
      %mul3A_21 = arith.muli %add3A_9, %mul3A_20 : i32
      %mul3A_22 = arith.constant 640 : i32
      %mul3A_23 = arith.muli %arg1, %mul3A_22 : i32
      %add3A_24 = arith.addi %mul3A_21, %mul3A_23 : i32
      "tpu.region"() ({
        %run_scoped3A = tpu.sem_alloc : memref<!tpu.dma_semaphore, #tpu.memory_space<semaphore_mem>>
        %dma_start3A = arith.constant 0 : i32
        %dma_start3A_26 = tpu.memref_slice %arg6[%add3A_24, %dma_start3A] : memref<40960x128xf32, #tpu.memory_space<hbm>> -> memref<640x128xf32, #tpu.memory_space<hbm>>
        %dma_start3A_27 = arith.constant 0 : i32
        %dma_start3A_28 = tpu.memref_slice %arg11[%mul3A_19, %dma_start3A_27] : memref<10240x128xf32, #tpu.memory_space<vmem_shared>> -> memref<640x128xf32, #tpu.memory_space<vmem_shared>>
        tpu.enqueue_dma source(%dma_start3A_28 : memref<640x128xf32, #tpu.memory_space<vmem_shared>>) target(%dma_start3A_26 : memref<640x128xf32, #tpu.memory_space<hbm>>) target_semaphore(%run_scoped3A : memref<!tpu.dma_semaphore, #tpu.memory_space<semaphore_mem>>)
        %dma_wait3A = arith.constant 0 : i32
        %dma_wait3A_29 = tpu.memref_slice %arg6[%add3A_24, %dma_wait3A] : memref<40960x128xf32, #tpu.memory_space<hbm>> -> memref<640x128xf32, #tpu.memory_space<hbm>>
        %dma_wait3A_30 = arith.constant 0 : i32
        %dma_wait3A_31 = tpu.memref_slice %arg11[%mul3A_19, %dma_wait3A_30] : memref<10240x128xf32, #tpu.memory_space<vmem_shared>> -> memref<640x128xf32, #tpu.memory_space<vmem_shared>>
        tpu.wait_dma2 semaphore(%run_scoped3A : memref<!tpu.dma_semaphore, #tpu.memory_space<semaphore_mem>>) src(%dma_wait3A_31 : memref<640x128xf32, #tpu.memory_space<vmem_shared>>) dst(%dma_wait3A_29 : memref<640x128xf32, #tpu.memory_space<hbm>>)
        tpu.yield
      }) : () -> ()
      %barrier3A_25 = arith.constant 0 : index
      tpu.barrier barrier_id(%barrier3A_25)
    }
    %scan3A_3 = arith.constant 2 : i32
    return
  }
}

#map = affine_map<(d0, d1) -> (0, 0)>
#map1 = affine_map<(d0, d1) -> (0, 0, 0)>
module attributes {stable_mosaic.version = 14 : i64} {
  func.func @_deg(%arg0: i32, %arg1: i32, %arg2: memref<32x5120xi32, #tpu.memory_space<hbm>>, %arg3: memref<32x80x128xf32, #tpu.memory_space<hbm>>, %arg4: memref<5120xi32, #tpu.memory_space<vmem>>, %arg5: memref<80x128xf32, #tpu.memory_space<vmem>>) attributes {dimension_semantics = [#tpu.dimension_semantics<core_parallel>, #tpu.dimension_semantics<subcore_parallel>], iteration_bounds = array<i64: 2, 16>, scalar_prefetch = 0 : i64, scratch_operands = 2 : i64, tpu.core_type = #tpu.core_type<sc_vector_subcore>, window_params = [{transform_indices = #map}, {transform_indices = #map1}]} {
    %mul3A = arith.constant 2 : i32
    %mul3A_0 = arith.muli %arg1, %mul3A : i32
    %add3A = arith.addi %mul3A_0, %arg0 : i32
    "tpu.region"() ({
      %run_scoped3A = tpu.sem_alloc : memref<!tpu.dma_semaphore, #tpu.memory_space<semaphore_mem>>
      %dma_start3A = arith.constant 0 : i32
      %dma_start3A_13 = tpu.memref_slice %arg2[%add3A, %dma_start3A] : memref<32x5120xi32, #tpu.memory_space<hbm>> -> memref<1x5120xi32, #tpu.memory_space<hbm>>
      %dma_start3A_14 = tpu.memref_squeeze %dma_start3A_13 : memref<1x5120xi32, #tpu.memory_space<hbm>> -> memref<5120xi32, #tpu.memory_space<hbm>>
      %dma_start3A_15 = arith.constant 0 : i32
      %dma_start3A_16 = tpu.memref_slice %arg2[%add3A, %dma_start3A_15] : memref<32x5120xi32, #tpu.memory_space<hbm>> -> memref<1x5120xi32, #tpu.memory_space<hbm>>
      %dma_start3A_17 = tpu.memref_squeeze %dma_start3A_16 : memref<1x5120xi32, #tpu.memory_space<hbm>> -> memref<5120xi32, #tpu.memory_space<hbm>>
      tpu.enqueue_dma source(%dma_start3A_17 : memref<5120xi32, #tpu.memory_space<hbm>>) target(%arg4 : memref<5120xi32, #tpu.memory_space<vmem>>) target_semaphore(%run_scoped3A : memref<!tpu.dma_semaphore, #tpu.memory_space<semaphore_mem>>)
      %dma_wait3A = arith.constant 0 : i32
      %dma_wait3A_18 = tpu.memref_slice %arg2[%add3A, %dma_wait3A] : memref<32x5120xi32, #tpu.memory_space<hbm>> -> memref<1x5120xi32, #tpu.memory_space<hbm>>
      %dma_wait3A_19 = tpu.memref_squeeze %dma_wait3A_18 : memref<1x5120xi32, #tpu.memory_space<hbm>> -> memref<5120xi32, #tpu.memory_space<hbm>>
      %dma_wait3A_20 = arith.constant 0 : i32
      %dma_wait3A_21 = tpu.memref_slice %arg2[%add3A, %dma_wait3A_20] : memref<32x5120xi32, #tpu.memory_space<hbm>> -> memref<1x5120xi32, #tpu.memory_space<hbm>>
      %dma_wait3A_22 = tpu.memref_squeeze %dma_wait3A_21 : memref<1x5120xi32, #tpu.memory_space<hbm>> -> memref<5120xi32, #tpu.memory_space<hbm>>
      tpu.wait_dma2 semaphore(%run_scoped3A : memref<!tpu.dma_semaphore, #tpu.memory_space<semaphore_mem>>) src(%dma_wait3A_22 : memref<5120xi32, #tpu.memory_space<hbm>>) dst(%arg4 : memref<5120xi32, #tpu.memory_space<vmem>>)
      tpu.yield
    }) : () -> ()
    %broadcast_in_dim3A = arith.constant 0.000000e+00 : f32
    %broadcast_in_dim3A_1 = vector.broadcast %broadcast_in_dim3A : f32 to vector<16xf32>
    %scan3A = arith.constant 0 : i32
    %scan3A_2 = arith.constant 80 : i32
    %scan3A_3 = arith.addi %scan3A, %scan3A_2 : i32
    %scan3A_4 = arith.constant 1 : i32
    scf.for %scan3A_13 = %scan3A to %scan3A_3 step %scan3A_4  : i32 {
      %mul3A_14 = arith.constant 1 : i32
      %mul3A_15 = arith.muli %scan3A_13, %mul3A_14 : i32
      %add3A_16 = arith.constant 0 : i32
      %add3A_17 = arith.addi %add3A_16, %mul3A_15 : i32
      %scan3A_18 = arith.constant 0 : i32
      %scan3A_19 = arith.constant 8 : i32
      %scan3A_20 = arith.addi %scan3A_18, %scan3A_19 : i32
      %scan3A_21 = arith.constant 1 : i32
      scf.for %scan3A_23 = %scan3A_18 to %scan3A_20 step %scan3A_21  : i32 {
        %mul3A_24 = arith.constant 16 : i32
        %mul3A_25 = arith.muli %scan3A_23, %mul3A_24 : i32
        %add3A_26 = arith.constant 0 : i32
        %add3A_27 = arith.addi %add3A_26, %mul3A_25 : i32
        %swap3A = arith.index_cast %add3A_17 : i32 to index
        %swap3A_28 = arith.index_cast %add3A_27 : i32 to index
        %swap3A_29 = tpu.vector_load %arg5[%swap3A, %swap3A_28] {strides = array<i32>} : memref<80x128xf32, #tpu.memory_space<vmem>>, vector<16xf32>,
        tpu.vector_store %arg5[%swap3A, %swap3A_28], %broadcast_in_dim3A_1 {strides = array<i32>} : memref<80x128xf32, #tpu.memory_space<vmem>>, vector<16xf32>,
      }
      %scan3A_22 = arith.constant 8 : i32
    }
    %scan3A_5 = arith.constant 80 : i32
    %broadcast_in_dim3A_6 = arith.constant 1.000000e+00 : f32
    %broadcast_in_dim3A_7 = vector.broadcast %broadcast_in_dim3A_6 : f32 to vector<16xf32>
    %scan3A_8 = arith.constant 0 : i32
    %scan3A_9 = arith.constant 320 : i32
    %scan3A_10 = arith.addi %scan3A_8, %scan3A_9 : i32
    %scan3A_11 = arith.constant 1 : i32
    scf.for %scan3A_13 = %scan3A_8 to %scan3A_10 step %scan3A_11  : i32 {
      %mul3A_14 = arith.constant 16 : i32
      %mul3A_15 = arith.muli %scan3A_13, %mul3A_14 : i32
      %add3A_16 = arith.constant 0 : i32
      %add3A_17 = arith.addi %add3A_16, %mul3A_15 : i32
      %get3A = arith.index_cast %add3A_17 : i32 to index
      %get3A_18 = tpu.vector_load %arg4[%get3A] {strides = array<i32>} : memref<5120xi32, #tpu.memory_space<vmem>>, vector<16xi32>,
      %shift_right_arithmetic3A = arith.constant 7 : i32
      %shift_right_arithmetic3A_19 = vector.broadcast %shift_right_arithmetic3A : i32 to vector<16xi32>
      %shift_right_arithmetic3A_20 = arith.shrsi %get3A_18, %shift_right_arithmetic3A_19 : vector<16xi32>
      %and3A = arith.constant 127 : i32
      %and3A_21 = vector.broadcast %and3A : i32 to vector<16xi32>
      %and3A_22 = arith.andi %get3A_18, %and3A_21 : vector<16xi32>
      tpu.vector_store_idx %arg5[%shift_right_arithmetic3A_20, %and3A_22], %broadcast_in_dim3A_7 {add = true} : memref<80x128xf32, #tpu.memory_space<vmem>>[vector<16xi32>, vector<16xi32>], vector<16xf32>,
    }
    %scan3A_12 = arith.constant 320 : i32
    "tpu.region"() ({
      %run_scoped3A = tpu.sem_alloc : memref<!tpu.dma_semaphore, #tpu.memory_space<semaphore_mem>>
      %dma_start3A = arith.constant 0 : i32
      %dma_start3A_13 = arith.constant 0 : i32
      %dma_start3A_14 = tpu.memref_slice %arg3[%add3A, %dma_start3A, %dma_start3A_13] : memref<32x80x128xf32, #tpu.memory_space<hbm>> -> memref<1x80x128xf32, #tpu.memory_space<hbm>>
      %dma_start3A_15 = tpu.memref_squeeze %dma_start3A_14 : memref<1x80x128xf32, #tpu.memory_space<hbm>> -> memref<80x128xf32, #tpu.memory_space<hbm>>
      %dma_start3A_16 = arith.constant 0 : i32
      %dma_start3A_17 = arith.constant 0 : i32
      %dma_start3A_18 = tpu.memref_slice %arg3[%add3A, %dma_start3A_16, %dma_start3A_17] : memref<32x80x128xf32, #tpu.memory_space<hbm>> -> memref<1x80x128xf32, #tpu.memory_space<hbm>>
      %dma_start3A_19 = tpu.memref_squeeze %dma_start3A_18 : memref<1x80x128xf32, #tpu.memory_space<hbm>> -> memref<80x128xf32, #tpu.memory_space<hbm>>
      tpu.enqueue_dma source(%arg5 : memref<80x128xf32, #tpu.memory_space<vmem>>) target(%dma_start3A_19 : memref<80x128xf32, #tpu.memory_space<hbm>>) target_semaphore(%run_scoped3A : memref<!tpu.dma_semaphore, #tpu.memory_space<semaphore_mem>>)
      %dma_wait3A = arith.constant 0 : i32
      %dma_wait3A_20 = arith.constant 0 : i32
      %dma_wait3A_21 = tpu.memref_slice %arg3[%add3A, %dma_wait3A, %dma_wait3A_20] : memref<32x80x128xf32, #tpu.memory_space<hbm>> -> memref<1x80x128xf32, #tpu.memory_space<hbm>>
      %dma_wait3A_22 = tpu.memref_squeeze %dma_wait3A_21 : memref<1x80x128xf32, #tpu.memory_space<hbm>> -> memref<80x128xf32, #tpu.memory_space<hbm>>
      %dma_wait3A_23 = arith.constant 0 : i32
      %dma_wait3A_24 = arith.constant 0 : i32
      %dma_wait3A_25 = tpu.memref_slice %arg3[%add3A, %dma_wait3A_23, %dma_wait3A_24] : memref<32x80x128xf32, #tpu.memory_space<hbm>> -> memref<1x80x128xf32, #tpu.memory_space<hbm>>
      %dma_wait3A_26 = tpu.memref_squeeze %dma_wait3A_25 : memref<1x80x128xf32, #tpu.memory_space<hbm>> -> memref<80x128xf32, #tpu.memory_space<hbm>>
      tpu.wait_dma2 semaphore(%run_scoped3A : memref<!tpu.dma_semaphore, #tpu.memory_space<semaphore_mem>>) src(%arg5 : memref<80x128xf32, #tpu.memory_space<vmem>>) dst(%dma_wait3A_26 : memref<80x128xf32, #tpu.memory_space<hbm>>)
      tpu.yield
    }) : () -> ()
    return
  }
}

module attributes {stable_mosaic.version = 14 : i64} {
  func.func @_mlp0_body(%arg0: i32, %arg1: memref<32x256x1xf32, #tpu.memory_space<vmem>>, %arg2: memref<256x128xf32, #tpu.memory_space<vmem>>, %arg3: memref<128x512xf32, #tpu.memory_space<vmem>>, %arg4: memref<1x512xf32, #tpu.memory_space<vmem>>, %arg5: memref<4x256x128xf32, #tpu.memory_space<vmem>>, %arg6: memref<256x1xf32, #tpu.memory_space<vmem>>) attributes {dimension_semantics = [#tpu.dimension_semantics<arbitrary>], iteration_bounds = array<i64: 40>, scalar_prefetch = 0 : i64, scratch_operands = 0 : i64, tpu.core_type = #tpu.core_type<tc>, window_params = [{transform_indices = @transform_0, window_bounds = array<i64: 32, 256, 1>}, {transform_indices = @transform_1, window_bounds = array<i64: 256, 128>}, {pipeline_mode = #tpu.pipeline_mode<synchronous>, transform_indices = @transform_2, window_bounds = array<i64: 128, 512>}, {pipeline_mode = #tpu.pipeline_mode<synchronous>, transform_indices = @transform_3, window_bounds = array<i64: 1, 512>}, {transform_indices = @transform_4, window_bounds = array<i64: 4, 256, 128>}, {transform_indices = @transform_5, window_bounds = array<i64: 256, 1>}]} {
    %get3A = arith.constant 0 : index
    %get3A_0 = arith.constant 0 : index
    %get3A_1 = arith.constant 0 : index
    %get3A_2 = vector.load %arg1[%get3A, %get3A_0, %get3A_1] : memref<32x256x1xf32, #tpu.memory_space<vmem>>, vector<32x256x1xf32>
    %reduce_sum3A = arith.constant dense<0.000000e+00> : vector<256x1xf32>
    %reduce_sum3A_3 = vector.multi_reduction <add>, %get3A_2, %reduce_sum3A [0] : vector<32x256x1xf32> to vector<256x1xf32>
    %add3A = arith.constant 1.000000e+00 : f32
    %add3A_4 = vector.broadcast %add3A : f32 to vector<256x1xf32>
    %add3A_5 = arith.addf %reduce_sum3A_3, %add3A_4 : vector<256x1xf32>
    %mul3A = arith.constant 256 : i32
    %mul3A_6 = arith.muli %arg0, %mul3A : i32
    %iota3A = tpu.iota {dimensions = array<i32: 0>} : vector<256x1xi32>
    %add3A_7 = vector.broadcast %mul3A_6 : i32 to vector<256x1xi32>
    %add3A_8 = arith.addi %add3A_7, %iota3A : vector<256x1xi32>
    %lt3A = arith.constant 10000 : i32
    %lt3A_9 = vector.broadcast %lt3A : i32 to vector<256x1xi32>
    %lt3A_10 = arith.cmpi slt, %add3A_8, %lt3A_9 : vector<256x1xi32>
    %rsqrt3A = math.rsqrt %add3A_5 : vector<256x1xf32>
    %jit3A = arith.constant 0.000000e+00 : f32
    %broadcast_in_dim3A = vector.broadcast %jit3A : f32 to vector<256x1xf32>
    %select_n3A = arith.select %lt3A_10, %rsqrt3A, %broadcast_in_dim3A : vector<256x1xi1>, vector<256x1xf32>
    %get3A_11 = arith.constant 0 : index
    %get3A_12 = arith.constant 0 : index
    %get3A_13 = vector.load %arg2[%get3A_11, %get3A_12] : memref<256x128xf32, #tpu.memory_space<vmem>>, vector<256x128xf32>
    %get3A_14 = arith.constant 0 : index
    %get3A_15 = arith.constant 0 : index
    %get3A_16 = vector.load %arg3[%get3A_14, %get3A_15] : memref<128x512xf32, #tpu.memory_space<vmem>>, vector<128x512xf32>
    %dot_general3A = arith.constant dense<0.000000e+00> : vector<256x512xf32>
    %dot_general3A_17 = tpu.matmul %get3A_13, %get3A_16, %dot_general3A {dimension_numbers = #tpu.dot_dimension_numbers<[1], [0], [0], [1], [0, 0, 1, 1], [], []>, transpose_lhs_hint = false} : vector<256x128xf32>, vector<128x512xf32>, vector<256x512xf32> -> vector<256x512xf32>
    %get3A_18 = arith.constant 0 : index
    %get3A_19 = arith.constant 0 : index
    %get3A_20 = vector.load %arg4[%get3A_18, %get3A_19] : memref<1x512xf32, #tpu.memory_space<vmem>>, vector<1x512xf32>
    %add3A_21 = vector.broadcast %get3A_20 : vector<1x512xf32> to vector<256x512xf32>
    %add3A_22 = arith.addf %dot_general3A_17, %add3A_21 : vector<256x512xf32>
    %max3A = arith.constant 0.000000e+00 : f32
    %max3A_23 = vector.broadcast %max3A : f32 to vector<256x512xf32>
    %max3A_24 = arith.maximumf %add3A_22, %max3A_23 : vector<256x512xf32>
    %mul3A_25 = vector.broadcast %select_n3A : vector<256x1xf32> to vector<256x512xf32>
    %mul3A_26 = arith.mulf %max3A_24, %mul3A_25 : vector<256x512xf32>
    %slice3A = vector.extract_strided_slice %mul3A_26 {offsets = [0, 0], sizes = [256, 128], strides = [1, 1]} : vector<256x512xf32> to vector<256x128xf32>
    %swap3A = arith.constant 0 : index
    %swap3A_27 = arith.constant 0 : index
    %swap3A_28 = arith.constant 0 : index
    %swap3A_29 = vector.load %arg5[%swap3A, %swap3A_27, %swap3A_28] : memref<4x256x128xf32, #tpu.memory_space<vmem>>, vector<1x256x128xf32>
    %swap3A_30 = vector.shape_cast %swap3A_29 : vector<1x256x128xf32> to vector<256x128xf32>
    %swap3A_31 = vector.shape_cast %slice3A : vector<256x128xf32> to vector<1x256x128xf32>
    tpu.vector_store %arg5[%swap3A, %swap3A_27, %swap3A_28], %swap3A_31 {strides = array<i32>} : memref<4x256x128xf32, #tpu.memory_space<vmem>>, vector<1x256x128xf32>,
    %slice3A_32 = vector.extract_strided_slice %mul3A_26 {offsets = [0, 128], sizes = [256, 128], strides = [1, 1]} : vector<256x512xf32> to vector<256x128xf32>
    %swap3A_33 = arith.constant 1 : index
    %swap3A_34 = arith.constant 0 : index
    %swap3A_35 = arith.constant 0 : index
    %swap3A_36 = vector.load %arg5[%swap3A_33, %swap3A_34, %swap3A_35] : memref<4x256x128xf32, #tpu.memory_space<vmem>>, vector<1x256x128xf32>
    %swap3A_37 = vector.shape_cast %swap3A_36 : vector<1x256x128xf32> to vector<256x128xf32>
    %swap3A_38 = vector.shape_cast %slice3A_32 : vector<256x128xf32> to vector<1x256x128xf32>
    tpu.vector_store %arg5[%swap3A_33, %swap3A_34, %swap3A_35], %swap3A_38 {strides = array<i32>} : memref<4x256x128xf32, #tpu.memory_space<vmem>>, vector<1x256x128xf32>,
    %slice3A_39 = vector.extract_strided_slice %mul3A_26 {offsets = [0, 256], sizes = [256, 128], strides = [1, 1]} : vector<256x512xf32> to vector<256x128xf32>
    %swap3A_40 = arith.constant 2 : index
    %swap3A_41 = arith.constant 0 : index
    %swap3A_42 = arith.constant 0 : index
    %swap3A_43 = vector.load %arg5[%swap3A_40, %swap3A_41, %swap3A_42] : memref<4x256x128xf32, #tpu.memory_space<vmem>>, vector<1x256x128xf32>
    %swap3A_44 = vector.shape_cast %swap3A_43 : vector<1x256x128xf32> to vector<256x128xf32>
    %swap3A_45 = vector.shape_cast %slice3A_39 : vector<256x128xf32> to vector<1x256x128xf32>
    tpu.vector_store %arg5[%swap3A_40, %swap3A_41, %swap3A_42], %swap3A_45 {strides = array<i32>} : memref<4x256x128xf32, #tpu.memory_space<vmem>>, vector<1x256x128xf32>,
    %slice3A_46 = vector.extract_strided_slice %mul3A_26 {offsets = [0, 384], sizes = [256, 128], strides = [1, 1]} : vector<256x512xf32> to vector<256x128xf32>
    %swap3A_47 = arith.constant 3 : index
    %swap3A_48 = arith.constant 0 : index
    %swap3A_49 = arith.constant 0 : index
    %swap3A_50 = vector.load %arg5[%swap3A_47, %swap3A_48, %swap3A_49] : memref<4x256x128xf32, #tpu.memory_space<vmem>>, vector<1x256x128xf32>
    %swap3A_51 = vector.shape_cast %swap3A_50 : vector<1x256x128xf32> to vector<256x128xf32>
    %swap3A_52 = vector.shape_cast %slice3A_46 : vector<256x128xf32> to vector<1x256x128xf32>
    tpu.vector_store %arg5[%swap3A_47, %swap3A_48, %swap3A_49], %swap3A_52 {strides = array<i32>} : memref<4x256x128xf32, #tpu.memory_space<vmem>>, vector<1x256x128xf32>,
    %swap3A_53 = arith.constant 0 : index
    %swap3A_54 = arith.constant 0 : index
    %swap3A_55 = vector.load %arg6[%swap3A_53, %swap3A_54] : memref<256x1xf32, #tpu.memory_space<vmem>>, vector<256x1xf32>
    tpu.vector_store %arg6[%swap3A_53, %swap3A_54], %select_n3A {strides = array<i32>} : memref<256x1xf32, #tpu.memory_space<vmem>>, vector<256x1xf32>,
    return
  }
  func.func @transform_0(%arg0: i32) -> (i32, i32, i32) {
    %c0_i32 = arith.constant 0 : i32
    %c0_i32_0 = arith.constant 0 : i32
    %c0_i32_1 = arith.constant 0 : i32
    return %c0_i32, %arg0, %c0_i32_0 : i32, i32, i32
  }
  func.func @transform_1(%arg0: i32) -> (i32, i32) {
    %c0_i32 = arith.constant 0 : i32
    %c0_i32_0 = arith.constant 0 : i32
    return %arg0, %c0_i32 : i32, i32
  }
  func.func @transform_2(%arg0: i32) -> (i32, i32) {
    %c0_i32 = arith.constant 0 : i32
    %c0_i32_0 = arith.constant 0 : i32
    %c0_i32_1 = arith.constant 0 : i32
    return %c0_i32, %c0_i32_0 : i32, i32
  }
  func.func @transform_3(%arg0: i32) -> (i32, i32) {
    %c0_i32 = arith.constant 0 : i32
    %c0_i32_0 = arith.constant 0 : i32
    %c0_i32_1 = arith.constant 0 : i32
    return %c0_i32, %c0_i32_0 : i32, i32
  }
  func.func @transform_4(%arg0: i32) -> (i32, i32, i32) {
    %c0_i32 = arith.constant 0 : i32
    %c0_i32_0 = arith.constant 0 : i32
    %c0_i32_1 = arith.constant 0 : i32
    return %c0_i32, %arg0, %c0_i32_0 : i32, i32, i32
  }
  func.func @transform_5(%arg0: i32) -> (i32, i32) {
    %c0_i32 = arith.constant 0 : i32
    %c0_i32_0 = arith.constant 0 : i32
    return %arg0, %c0_i32 : i32, i32
  }
}

module attributes {stable_mosaic.version = 14 : i64} {
  func.func @_mlp2_body(%arg0: i32, %arg1: memref<4x256x128xf32, #tpu.memory_space<vmem>>, %arg2: memref<4x256x128xf32, #tpu.memory_space<vmem>>, %arg3: memref<256x1xf32, #tpu.memory_space<vmem>>, %arg4: memref<512x512xbf16, #tpu.memory_space<vmem>>, %arg5: memref<1x512xf32, #tpu.memory_space<vmem>>, %arg6: memref<512x384xbf16, #tpu.memory_space<vmem>>, %arg7: memref<1x384xf32, #tpu.memory_space<vmem>>, %arg8: memref<384x128xbf16, #tpu.memory_space<vmem>>, %arg9: memref<1x128xf32, #tpu.memory_space<vmem>>, %arg10: memref<128x128xbf16, #tpu.memory_space<vmem>>, %arg11: memref<1x128xf32, #tpu.memory_space<vmem>>, %arg12: memref<80x128xi32, #tpu.memory_space<vmem>>, %arg13: memref<64x128xf32, #tpu.memory_space<vmem>>, %arg14: memref<10240x128xf32, #tpu.memory_space<vmem>>) attributes {dimension_semantics = [#tpu.dimension_semantics<arbitrary>], iteration_bounds = array<i64: 40>, scalar_prefetch = 0 : i64, scratch_operands = 1 : i64, tpu.core_type = #tpu.core_type<tc>, window_params = [{transform_indices = @transform_0, window_bounds = array<i64: 4, 256, 128>}, {transform_indices = @transform_1, window_bounds = array<i64: 4, 256, 128>}, {transform_indices = @transform_2, window_bounds = array<i64: 256, 1>}, {pipeline_mode = #tpu.pipeline_mode<synchronous>, transform_indices = @transform_3, window_bounds = array<i64: 512, 512>}, {pipeline_mode = #tpu.pipeline_mode<synchronous>, transform_indices = @transform_4, window_bounds = array<i64: 1, 512>}, {pipeline_mode = #tpu.pipeline_mode<synchronous>, transform_indices = @transform_5, window_bounds = array<i64: 512, 384>}, {pipeline_mode = #tpu.pipeline_mode<synchronous>, transform_indices = @transform_6, window_bounds = array<i64: 1, 384>}, {pipeline_mode = #tpu.pipeline_mode<synchronous>, transform_indices = @transform_7, window_bounds = array<i64: 384, 128>}, {pipeline_mode = #tpu.pipeline_mode<synchronous>, transform_indices = @transform_8, window_bounds = array<i64: 1, 128>}, {pipeline_mode = #tpu.pipeline_mode<synchronous>, transform_indices = @transform_9, window_bounds = array<i64: 128, 128>}, {pipeline_mode = #tpu.pipeline_mode<synchronous>, transform_indices = @transform_10, window_bounds = array<i64: 1, 128>}, {pipeline_mode = #tpu.pipeline_mode<synchronous>, transform_indices = @transform_11, window_bounds = array<i64: 80, 128>}, {pipeline_mode = #tpu.pipeline_mode<synchronous>, transform_indices = @transform_12, window_bounds = array<i64: 64, 128>}]} {
    %get3A = arith.constant 0 : index
    %get3A_0 = arith.constant 0 : index
    %get3A_1 = vector.load %arg3[%get3A, %get3A_0] : memref<256x1xf32, #tpu.memory_space<vmem>>, vector<256x1xf32>
    %broadcast_in_dim3A = arith.constant 0.000000e+00 : f32
    %broadcast_in_dim3A_2 = vector.broadcast %broadcast_in_dim3A : f32 to vector<256x512xf32>
    %get3A_3 = arith.constant 0 : index
    %get3A_4 = arith.constant 0 : index
    %get3A_5 = arith.constant 0 : index
    %get3A_6 = vector.load %arg1[%get3A_3, %get3A_4, %get3A_5] : memref<4x256x128xf32, #tpu.memory_space<vmem>>, vector<1x256x128xf32>
    %get3A_7 = vector.shape_cast %get3A_6 : vector<1x256x128xf32> to vector<256x128xf32>
    %get3A_8 = arith.constant 0 : index
    %get3A_9 = arith.constant 0 : index
    %get3A_10 = arith.constant 0 : index
    %get3A_11 = vector.load %arg2[%get3A_8, %get3A_9, %get3A_10] : memref<4x256x128xf32, #tpu.memory_space<vmem>>, vector<1x256x128xf32>
    %get3A_12 = vector.shape_cast %get3A_11 : vector<1x256x128xf32> to vector<256x128xf32>
    %add3A = arith.addf %get3A_7, %get3A_12 : vector<256x128xf32>
    %mul3A = vector.broadcast %get3A_1 : vector<256x1xf32> to vector<256x128xf32>
    %mul3A_13 = arith.mulf %add3A, %mul3A : vector<256x128xf32>
    %convert_element_type3A = arith.truncf %mul3A_13 : vector<256x128xf32> to vector<256x128xbf16>
    %get3A_14 = arith.constant 0 : index
    %get3A_15 = arith.constant 0 : index
    %get3A_16 = vector.load %arg4[%get3A_14, %get3A_15] : memref<512x512xbf16, #tpu.memory_space<vmem>>, vector<128x512xbf16>
    %dot_general3A = arith.constant dense<0.000000e+00> : vector<256x512xf32>
    %dot_general3A_17 = tpu.matmul %convert_element_type3A, %get3A_16, %dot_general3A {dimension_numbers = #tpu.dot_dimension_numbers<[1], [0], [0], [1], [0, 0, 1, 1], [], []>, transpose_lhs_hint = false} : vector<256x128xbf16>, vector<128x512xbf16>, vector<256x512xf32> -> vector<256x512xf32>
    %add3A_18 = arith.addf %broadcast_in_dim3A_2, %dot_general3A_17 : vector<256x512xf32>
    %get3A_19 = arith.constant 1 : index
    %get3A_20 = arith.constant 0 : index
    %get3A_21 = arith.constant 0 : index
    %get3A_22 = vector.load %arg1[%get3A_19, %get3A_20, %get3A_21] : memref<4x256x128xf32, #tpu.memory_space<vmem>>, vector<1x256x128xf32>
    %get3A_23 = vector.shape_cast %get3A_22 : vector<1x256x128xf32> to vector<256x128xf32>
    %get3A_24 = arith.constant 1 : index
    %get3A_25 = arith.constant 0 : index
    %get3A_26 = arith.constant 0 : index
    %get3A_27 = vector.load %arg2[%get3A_24, %get3A_25, %get3A_26] : memref<4x256x128xf32, #tpu.memory_space<vmem>>, vector<1x256x128xf32>
    %get3A_28 = vector.shape_cast %get3A_27 : vector<1x256x128xf32> to vector<256x128xf32>
    %add3A_29 = arith.addf %get3A_23, %get3A_28 : vector<256x128xf32>
    %mul3A_30 = vector.broadcast %get3A_1 : vector<256x1xf32> to vector<256x128xf32>
    %mul3A_31 = arith.mulf %add3A_29, %mul3A_30 : vector<256x128xf32>
    %convert_element_type3A_32 = arith.truncf %mul3A_31 : vector<256x128xf32> to vector<256x128xbf16>
    %get3A_33 = arith.constant 128 : index
    %get3A_34 = arith.constant 0 : index
    %get3A_35 = vector.load %arg4[%get3A_33, %get3A_34] : memref<512x512xbf16, #tpu.memory_space<vmem>>, vector<128x512xbf16>
    %dot_general3A_36 = arith.constant dense<0.000000e+00> : vector<256x512xf32>
    %dot_general3A_37 = tpu.matmul %convert_element_type3A_32, %get3A_35, %dot_general3A_36 {dimension_numbers = #tpu.dot_dimension_numbers<[1], [0], [0], [1], [0, 0, 1, 1], [], []>, transpose_lhs_hint = false} : vector<256x128xbf16>, vector<128x512xbf16>, vector<256x512xf32> -> vector<256x512xf32>
    %add3A_38 = arith.addf %add3A_18, %dot_general3A_37 : vector<256x512xf32>
    %get3A_39 = arith.constant 2 : index
    %get3A_40 = arith.constant 0 : index
    %get3A_41 = arith.constant 0 : index
    %get3A_42 = vector.load %arg1[%get3A_39, %get3A_40, %get3A_41] : memref<4x256x128xf32, #tpu.memory_space<vmem>>, vector<1x256x128xf32>
    %get3A_43 = vector.shape_cast %get3A_42 : vector<1x256x128xf32> to vector<256x128xf32>
    %get3A_44 = arith.constant 2 : index
    %get3A_45 = arith.constant 0 : index
    %get3A_46 = arith.constant 0 : index
    %get3A_47 = vector.load %arg2[%get3A_44, %get3A_45, %get3A_46] : memref<4x256x128xf32, #tpu.memory_space<vmem>>, vector<1x256x128xf32>
    %get3A_48 = vector.shape_cast %get3A_47 : vector<1x256x128xf32> to vector<256x128xf32>
    %add3A_49 = arith.addf %get3A_43, %get3A_48 : vector<256x128xf32>
    %mul3A_50 = vector.broadcast %get3A_1 : vector<256x1xf32> to vector<256x128xf32>
    %mul3A_51 = arith.mulf %add3A_49, %mul3A_50 : vector<256x128xf32>
    %convert_element_type3A_52 = arith.truncf %mul3A_51 : vector<256x128xf32> to vector<256x128xbf16>
    %get3A_53 = arith.constant 256 : index
    %get3A_54 = arith.constant 0 : index
    %get3A_55 = vector.load %arg4[%get3A_53, %get3A_54] : memref<512x512xbf16, #tpu.memory_space<vmem>>, vector<128x512xbf16>
    %dot_general3A_56 = arith.constant dense<0.000000e+00> : vector<256x512xf32>
    %dot_general3A_57 = tpu.matmul %convert_element_type3A_52, %get3A_55, %dot_general3A_56 {dimension_numbers = #tpu.dot_dimension_numbers<[1], [0], [0], [1], [0, 0, 1, 1], [], []>, transpose_lhs_hint = false} : vector<256x128xbf16>, vector<128x512xbf16>, vector<256x512xf32> -> vector<256x512xf32>
    %add3A_58 = arith.addf %add3A_38, %dot_general3A_57 : vector<256x512xf32>
    %get3A_59 = arith.constant 3 : index
    %get3A_60 = arith.constant 0 : index
    %get3A_61 = arith.constant 0 : index
    %get3A_62 = vector.load %arg1[%get3A_59, %get3A_60, %get3A_61] : memref<4x256x128xf32, #tpu.memory_space<vmem>>, vector<1x256x128xf32>
    %get3A_63 = vector.shape_cast %get3A_62 : vector<1x256x128xf32> to vector<256x128xf32>
    %get3A_64 = arith.constant 3 : index
    %get3A_65 = arith.constant 0 : index
    %get3A_66 = arith.constant 0 : index
    %get3A_67 = vector.load %arg2[%get3A_64, %get3A_65, %get3A_66] : memref<4x256x128xf32, #tpu.memory_space<vmem>>, vector<1x256x128xf32>
    %get3A_68 = vector.shape_cast %get3A_67 : vector<1x256x128xf32> to vector<256x128xf32>
    %add3A_69 = arith.addf %get3A_63, %get3A_68 : vector<256x128xf32>
    %mul3A_70 = vector.broadcast %get3A_1 : vector<256x1xf32> to vector<256x128xf32>
    %mul3A_71 = arith.mulf %add3A_69, %mul3A_70 : vector<256x128xf32>
    %convert_element_type3A_72 = arith.truncf %mul3A_71 : vector<256x128xf32> to vector<256x128xbf16>
    %get3A_73 = arith.constant 384 : index
    %get3A_74 = arith.constant 0 : index
    %get3A_75 = vector.load %arg4[%get3A_73, %get3A_74] : memref<512x512xbf16, #tpu.memory_space<vmem>>, vector<128x512xbf16>
    %dot_general3A_76 = arith.constant dense<0.000000e+00> : vector<256x512xf32>
    %dot_general3A_77 = tpu.matmul %convert_element_type3A_72, %get3A_75, %dot_general3A_76 {dimension_numbers = #tpu.dot_dimension_numbers<[1], [0], [0], [1], [0, 0, 1, 1], [], []>, transpose_lhs_hint = false} : vector<256x128xbf16>, vector<128x512xbf16>, vector<256x512xf32> -> vector<256x512xf32>
    %add3A_78 = arith.addf %add3A_58, %dot_general3A_77 : vector<256x512xf32>
    %get3A_79 = arith.constant 0 : index
    %get3A_80 = arith.constant 0 : index
    %get3A_81 = vector.load %arg5[%get3A_79, %get3A_80] : memref<1x512xf32, #tpu.memory_space<vmem>>, vector<1x512xf32>
    %add3A_82 = vector.broadcast %get3A_81 : vector<1x512xf32> to vector<256x512xf32>
    %add3A_83 = arith.addf %add3A_78, %add3A_82 : vector<256x512xf32>
    %max3A = arith.constant 0.000000e+00 : f32
    %max3A_84 = vector.broadcast %max3A : f32 to vector<256x512xf32>
    %max3A_85 = arith.maximumf %add3A_83, %max3A_84 : vector<256x512xf32>
    %convert_element_type3A_86 = arith.truncf %max3A_85 : vector<256x512xf32> to vector<256x512xbf16>
    %get3A_87 = arith.constant 0 : index
    %get3A_88 = arith.constant 0 : index
    %get3A_89 = vector.load %arg6[%get3A_87, %get3A_88] : memref<512x384xbf16, #tpu.memory_space<vmem>>, vector<512x384xbf16>
    %dot_general3A_90 = arith.constant dense<0.000000e+00> : vector<256x384xf32>
    %dot_general3A_91 = tpu.matmul %convert_element_type3A_86, %get3A_89, %dot_general3A_90 {dimension_numbers = #tpu.dot_dimension_numbers<[1], [0], [0], [1], [0, 0, 1, 1], [], []>, transpose_lhs_hint = false} : vector<256x512xbf16>, vector<512x384xbf16>, vector<256x384xf32> -> vector<256x384xf32>
    %get3A_92 = arith.constant 0 : index
    %get3A_93 = arith.constant 0 : index
    %get3A_94 = vector.load %arg7[%get3A_92, %get3A_93] : memref<1x384xf32, #tpu.memory_space<vmem>>, vector<1x384xf32>
    %add3A_95 = vector.broadcast %get3A_94 : vector<1x384xf32> to vector<256x384xf32>
    %add3A_96 = arith.addf %dot_general3A_91, %add3A_95 : vector<256x384xf32>
    %max3A_97 = arith.constant 0.000000e+00 : f32
    %max3A_98 = vector.broadcast %max3A_97 : f32 to vector<256x384xf32>
    %max3A_99 = arith.maximumf %add3A_96, %max3A_98 : vector<256x384xf32>
    %convert_element_type3A_100 = arith.truncf %max3A_99 : vector<256x384xf32> to vector<256x384xbf16>
    %get3A_101 = arith.constant 0 : index
    %get3A_102 = arith.constant 0 : index
    %get3A_103 = vector.load %arg8[%get3A_101, %get3A_102] : memref<384x128xbf16, #tpu.memory_space<vmem>>, vector<384x128xbf16>
    %dot_general3A_104 = arith.constant dense<0.000000e+00> : vector<256x128xf32>
    %dot_general3A_105 = tpu.matmul %convert_element_type3A_100, %get3A_103, %dot_general3A_104 {dimension_numbers = #tpu.dot_dimension_numbers<[1], [0], [0], [1], [0, 0, 1, 1], [], []>, transpose_lhs_hint = false} : vector<256x384xbf16>, vector<384x128xbf16>, vector<256x128xf32> -> vector<256x128xf32>
    %get3A_106 = arith.constant 0 : index
    %get3A_107 = arith.constant 0 : index
    %get3A_108 = vector.load %arg9[%get3A_106, %get3A_107] : memref<1x128xf32, #tpu.memory_space<vmem>>, vector<1x128xf32>
    %add3A_109 = vector.broadcast %get3A_108 : vector<1x128xf32> to vector<256x128xf32>
    %add3A_110 = arith.addf %dot_general3A_105, %add3A_109 : vector<256x128xf32>
    %max3A_111 = arith.constant 0.000000e+00 : f32
    %max3A_112 = vector.broadcast %max3A_111 : f32 to vector<256x128xf32>
    %max3A_113 = arith.maximumf %add3A_110, %max3A_112 : vector<256x128xf32>
    %convert_element_type3A_114 = arith.truncf %max3A_113 : vector<256x128xf32> to vector<256x128xbf16>
    %get3A_115 = arith.constant 0 : index
    %get3A_116 = arith.constant 0 : index
    %get3A_117 = vector.load %arg10[%get3A_115, %get3A_116] : memref<128x128xbf16, #tpu.memory_space<vmem>>, vector<128x128xbf16>
    %dot_general3A_118 = arith.constant dense<0.000000e+00> : vector<256x128xf32>
    %dot_general3A_119 = tpu.matmul %convert_element_type3A_114, %get3A_117, %dot_general3A_118 {dimension_numbers = #tpu.dot_dimension_numbers<[1], [0], [0], [1], [0, 0, 1, 1], [], []>, transpose_lhs_hint = false} : vector<256x128xbf16>, vector<128x128xbf16>, vector<256x128xf32> -> vector<256x128xf32>
    %get3A_120 = arith.constant 0 : index
    %get3A_121 = arith.constant 0 : index
    %get3A_122 = vector.load %arg11[%get3A_120, %get3A_121] : memref<1x128xf32, #tpu.memory_space<vmem>>, vector<1x128xf32>
    %add3A_123 = vector.broadcast %get3A_122 : vector<1x128xf32> to vector<256x128xf32>
    %add3A_124 = arith.addf %dot_general3A_119, %add3A_123 : vector<256x128xf32>
    %mul3A_125 = arith.constant 256 : i32
    %mul3A_126 = arith.muli %arg0, %mul3A_125 : i32
    %swap3A = arith.index_cast %mul3A_126 : i32 to index
    %swap3A_127 = arith.constant 0 : index
    %swap3A_128 = vector.load %arg14[%swap3A, %swap3A_127] : memref<10240x128xf32, #tpu.memory_space<vmem>>, vector<256x128xf32>
    tpu.vector_store %arg14[%swap3A, %swap3A_127], %add3A_124 {strides = array<i32>} : memref<10240x128xf32, #tpu.memory_space<vmem>>, vector<256x128xf32>,
    %eq3A = arith.constant 39 : i32
    %eq3A_129 = arith.cmpi eq, %arg0, %eq3A : i32
    %convert_element_type3A_130 = arith.extui %eq3A_129 : i1 to i32
    %cond3A = arith.constant 0 : i32
    %cond3A_131 = arith.cmpi ne, %convert_element_type3A_130, %cond3A : i32
    scf.if %cond3A_131 {
      %get3A_132 = arith.constant 0 : index
      %get3A_133 = arith.constant 0 : index
      %get3A_134 = vector.load %arg12[%get3A_132, %get3A_133] : memref<80x128xi32, #tpu.memory_space<vmem>>, vector<80x128xi32>
      %broadcast_in_dim3A_135 = arith.constant 0xFF800000 : f32
      %broadcast_in_dim3A_136 = vector.broadcast %broadcast_in_dim3A_135 : f32 to vector<8x128xf32>
      %scan3A = arith.constant 0 : i32
      %scan3A_137 = arith.constant 64 : i32
      %scan3A_138 = arith.addi %scan3A, %scan3A_137 : i32
      %scan3A_139 = arith.constant 1 : i32
      scf.for %scan3A_153 = %scan3A to %scan3A_138 step %scan3A_139  : i32 {
        %lt3A = vector.broadcast %scan3A_153 : i32 to vector<80x128xi32>
        %lt3A_154 = arith.cmpi slt, %get3A_134, %lt3A : vector<80x128xi32>
        %convert_element_type3A_155 = arith.extui %lt3A_154 : vector<80x128xi1> to vector<80x128xi32>
        %reduce_sum3A_156 = vector.shape_cast %convert_element_type3A_155 : vector<80x128xi32> to vector<1x80x128xi32>
        %reduce_sum3A_157 = arith.constant dense<0> : vector<1xi32>
        %reduce_sum3A_158 = vector.multi_reduction <add>, %reduce_sum3A_156, %reduce_sum3A_157 [1, 2] : vector<1x80x128xi32> to vector<1xi32>
        %reduce_sum3A_159 = vector.shape_cast %reduce_sum3A_158 : vector<1xi32> to vector<1x1x1xi32>
        %reduce_sum3A_160 = vector.extract %reduce_sum3A_159[0, 0, 0] : i32 from vector<1x1x1xi32>
        %add3A_161 = arith.constant 1 : i32
        %add3A_162 = arith.addi %scan3A_153, %add3A_161 : i32
        %lt3A_163 = vector.broadcast %add3A_162 : i32 to vector<80x128xi32>
        %lt3A_164 = arith.cmpi slt, %get3A_134, %lt3A_163 : vector<80x128xi32>
        %convert_element_type3A_165 = arith.extui %lt3A_164 : vector<80x128xi1> to vector<80x128xi32>
        %reduce_sum3A_166 = vector.shape_cast %convert_element_type3A_165 : vector<80x128xi32> to vector<1x80x128xi32>
        %reduce_sum3A_167 = arith.constant dense<0> : vector<1xi32>
        %reduce_sum3A_168 = vector.multi_reduction <add>, %reduce_sum3A_166, %reduce_sum3A_167 [1, 2] : vector<1x80x128xi32> to vector<1xi32>
        %reduce_sum3A_169 = vector.shape_cast %reduce_sum3A_168 : vector<1xi32> to vector<1x1x1xi32>
        %reduce_sum3A_170 = vector.extract %reduce_sum3A_169[0, 0, 0] : i32 from vector<1x1x1xi32>
        %jit3A = arith.constant 8 : i32
        %div3A_171 = arith.divsi %reduce_sum3A_160, %jit3A : i32
        %sign3A = arith.constant 0 : i32
        %sign3A_172 = arith.cmpi sgt, %reduce_sum3A_160, %sign3A : i32
        %sign3A_173 = arith.extui %sign3A_172 : i1 to i32
        %sign3A_174 = arith.constant 0 : i32
        %sign3A_175 = arith.cmpi slt, %reduce_sum3A_160, %sign3A_174 : i32
        %sign3A_176 = arith.extui %sign3A_175 : i1 to i32
        %sign3A_177 = arith.subi %sign3A_173, %sign3A_176 : i32
        %sign3A_178 = arith.constant 0 : i32
        %sign3A_179 = arith.cmpi sgt, %jit3A, %sign3A_178 : i32
        %sign3A_180 = arith.extui %sign3A_179 : i1 to i32
        %sign3A_181 = arith.constant 0 : i32
        %sign3A_182 = arith.cmpi slt, %jit3A, %sign3A_181 : i32
        %sign3A_183 = arith.extui %sign3A_182 : i1 to i32
        %sign3A_184 = arith.subi %sign3A_180, %sign3A_183 : i32
        %ne3A = arith.cmpi ne, %sign3A_177, %sign3A_184 : i32
        %rem3A = arith.remsi %reduce_sum3A_160, %jit3A : i32
        %ne3A_185 = arith.constant 0 : i32
        %ne3A_186 = arith.cmpi ne, %rem3A, %ne3A_185 : i32
        %and3A = arith.andi %ne3A, %ne3A_186 : i1
        %sub3A_187 = arith.constant 1 : i32
        %sub3A_188 = arith.subi %div3A_171, %sub3A_187 : i32
        %select_n3A = arith.select %and3A, %sub3A_188, %div3A_171 : i32
        %add3A_189 = arith.constant 7 : i32
        %add3A_190 = arith.addi %reduce_sum3A_170, %add3A_189 : i32
        %jit3A_191 = arith.constant 8 : i32
        %div3A_192 = arith.divsi %add3A_190, %jit3A_191 : i32
        %sign3A_193 = arith.constant 0 : i32
        %sign3A_194 = arith.cmpi sgt, %add3A_190, %sign3A_193 : i32
        %sign3A_195 = arith.extui %sign3A_194 : i1 to i32
        %sign3A_196 = arith.constant 0 : i32
        %sign3A_197 = arith.cmpi slt, %add3A_190, %sign3A_196 : i32
        %sign3A_198 = arith.extui %sign3A_197 : i1 to i32
        %sign3A_199 = arith.subi %sign3A_195, %sign3A_198 : i32
        %sign3A_200 = arith.constant 0 : i32
        %sign3A_201 = arith.cmpi sgt, %jit3A_191, %sign3A_200 : i32
        %sign3A_202 = arith.extui %sign3A_201 : i1 to i32
        %sign3A_203 = arith.constant 0 : i32
        %sign3A_204 = arith.cmpi slt, %jit3A_191, %sign3A_203 : i32
        %sign3A_205 = arith.extui %sign3A_204 : i1 to i32
        %sign3A_206 = arith.subi %sign3A_202, %sign3A_205 : i32
        %ne3A_207 = arith.cmpi ne, %sign3A_199, %sign3A_206 : i32
        %rem3A_208 = arith.remsi %add3A_190, %jit3A_191 : i32
        %ne3A_209 = arith.constant 0 : i32
        %ne3A_210 = arith.cmpi ne, %rem3A_208, %ne3A_209 : i32
        %and3A_211 = arith.andi %ne3A_207, %ne3A_210 : i1
        %sub3A_212 = arith.constant 1 : i32
        %sub3A_213 = arith.subi %div3A_192, %sub3A_212 : i32
        %select_n3A_214 = arith.select %and3A_211, %sub3A_213, %div3A_192 : i32
        %while3A = arith.subi %select_n3A_214, %select_n3A : i32
        %while3A_215 = arith.addi %select_n3A, %while3A : i32
        %while3A_216 = arith.constant 1 : i32
        %while3A_217 = arith.divsi %while3A, %while3A_216 : i32
        %while3A_218 = arith.muli %while3A_217, %while3A_216 : i32
        %while3A_219 = arith.addi %select_n3A, %while3A_218 : i32
        %while3A_220 = arith.constant 1 : i32
        %while3A_221 = scf.for %while3A_230 = %select_n3A to %while3A_219 step %while3A_220 iter_args(%while3A_231 = %broadcast_in_dim3A_136) -> (vector<8x128xf32>)  : i32 {
          %mul3A_232 = arith.constant 8 : i32
          %mul3A_233 = arith.muli %while3A_230, %mul3A_232 : i32
          %iota3A = tpu.iota {dimensions = array<i32: 0>} : vector<8x128xi32>
          %add3A_234 = vector.broadcast %mul3A_233 : i32 to vector<8x128xi32>
          %add3A_235 = arith.addi %add3A_234, %iota3A : vector<8x128xi32>
          %mul3A_236 = arith.constant 8 : i32
          %mul3A_237 = arith.muli %while3A_230, %mul3A_236 : i32
          %get3A_238 = arith.index_cast %mul3A_237 : i32 to index
          %get3A_239 = arith.constant 0 : index
          %get3A_240 = vector.load %arg14[%get3A_238, %get3A_239] : memref<10240x128xf32, #tpu.memory_space<vmem>>, vector<8x128xf32>
          %ge3A = vector.broadcast %reduce_sum3A_160 : i32 to vector<8x128xi32>
          %ge3A_241 = arith.cmpi sge, %add3A_235, %ge3A : vector<8x128xi32>
          %lt3A_242 = vector.broadcast %reduce_sum3A_170 : i32 to vector<8x128xi32>
          %lt3A_243 = arith.cmpi slt, %add3A_235, %lt3A_242 : vector<8x128xi32>
          %and3A_244 = arith.andi %ge3A_241, %lt3A_243 : vector<8x128xi1>
          %jit3A_245 = arith.constant 0xFF800000 : f32
          %broadcast_in_dim3A_246 = vector.broadcast %jit3A_245 : f32 to vector<8x128xf32>
          %select_n3A_247 = arith.select %and3A_244, %get3A_240, %broadcast_in_dim3A_246 : vector<8x128xi1>, vector<8x128xf32>
          %max3A_248 = arith.maximumf %while3A_231, %select_n3A_247 : vector<8x128xf32>
          scf.yield %max3A_248 : vector<8x128xf32>
        }
        %while3A_222 = arith.constant 1 : i32
        %while3A_223 = scf.for %while3A_230 = %while3A_219 to %while3A_215 step %while3A_222 iter_args(%while3A_231 = %while3A_221) -> (vector<8x128xf32>)  : i32 {
          %mul3A_232 = arith.constant 8 : i32
          %mul3A_233 = arith.muli %while3A_230, %mul3A_232 : i32
          %iota3A = tpu.iota {dimensions = array<i32: 0>} : vector<8x128xi32>
          %add3A_234 = vector.broadcast %mul3A_233 : i32 to vector<8x128xi32>
          %add3A_235 = arith.addi %add3A_234, %iota3A : vector<8x128xi32>
          %mul3A_236 = arith.constant 8 : i32
          %mul3A_237 = arith.muli %while3A_230, %mul3A_236 : i32
          %get3A_238 = arith.index_cast %mul3A_237 : i32 to index
          %get3A_239 = arith.constant 0 : index
          %get3A_240 = vector.load %arg14[%get3A_238, %get3A_239] : memref<10240x128xf32, #tpu.memory_space<vmem>>, vector<8x128xf32>
          %ge3A = vector.broadcast %reduce_sum3A_160 : i32 to vector<8x128xi32>
          %ge3A_241 = arith.cmpi sge, %add3A_235, %ge3A : vector<8x128xi32>
          %lt3A_242 = vector.broadcast %reduce_sum3A_170 : i32 to vector<8x128xi32>
          %lt3A_243 = arith.cmpi slt, %add3A_235, %lt3A_242 : vector<8x128xi32>
          %and3A_244 = arith.andi %ge3A_241, %lt3A_243 : vector<8x128xi1>
          %jit3A_245 = arith.constant 0xFF800000 : f32
          %broadcast_in_dim3A_246 = vector.broadcast %jit3A_245 : f32 to vector<8x128xf32>
          %select_n3A_247 = arith.select %and3A_244, %get3A_240, %broadcast_in_dim3A_246 : vector<8x128xi1>, vector<8x128xf32>
          %max3A_248 = arith.maximumf %while3A_231, %select_n3A_247 : vector<8x128xf32>
          scf.yield %max3A_248 : vector<8x128xf32>
        }
        %reduce_max3A_224 = arith.constant dense<0xFF800000> : vector<128xf32>
        %reduce_max3A_225 = vector.multi_reduction <maximumf>, %while3A_223, %reduce_max3A_224 [0] : vector<8x128xf32> to vector<128xf32>
        %broadcast_in_dim3A_226 = vector.shape_cast %reduce_max3A_225 : vector<128xf32> to vector<1x128xf32>
        %swap3A_227 = arith.index_cast %scan3A_153 : i32 to index
        %swap3A_228 = arith.constant 0 : index
        %swap3A_229 = vector.load %arg13[%swap3A_227, %swap3A_228] : memref<64x128xf32, #tpu.memory_space<vmem>>, vector<1x128xf32>
        tpu.vector_store %arg13[%swap3A_227, %swap3A_228], %broadcast_in_dim3A_226 {strides = array<i32>} : memref<64x128xf32, #tpu.memory_space<vmem>>, vector<1x128xf32>,
      }
      %scan3A_140 = arith.constant 64 : i32
      %get3A_141 = arith.constant 0 : index
      %get3A_142 = arith.constant 0 : index
      %get3A_143 = vector.load %arg13[%get3A_141, %get3A_142] : memref<64x128xf32, #tpu.memory_space<vmem>>, vector<64x128xf32>
      %reduce_max3A = arith.constant dense<0xFF800000> : vector<128xf32>
      %reduce_max3A_144 = vector.multi_reduction <maximumf>, %get3A_143, %reduce_max3A [0] : vector<64x128xf32> to vector<128xf32>
      %broadcast_in_dim3A_145 = vector.shape_cast %reduce_max3A_144 : vector<128xf32> to vector<1x128xf32>
      %sub3A = vector.broadcast %broadcast_in_dim3A_145 : vector<1x128xf32> to vector<64x128xf32>
      %sub3A_146 = arith.subf %get3A_143, %sub3A : vector<64x128xf32>
      %exp3A = math.exp %sub3A_146 : vector<64x128xf32>
      %reduce_sum3A = arith.constant dense<0.000000e+00> : vector<128xf32>
      %reduce_sum3A_147 = vector.multi_reduction <add>, %exp3A, %reduce_sum3A [0] : vector<64x128xf32> to vector<128xf32>
      %broadcast_in_dim3A_148 = vector.shape_cast %reduce_sum3A_147 : vector<128xf32> to vector<1x128xf32>
      %div3A = vector.broadcast %broadcast_in_dim3A_148 : vector<1x128xf32> to vector<64x128xf32>
      %div3A_149 = arith.divf %exp3A, %div3A : vector<64x128xf32>
      %swap3A_150 = arith.constant 0 : index
      %swap3A_151 = arith.constant 0 : index
      %swap3A_152 = vector.load %arg13[%swap3A_150, %swap3A_151] : memref<64x128xf32, #tpu.memory_space<vmem>>, vector<64x128xf32>
      tpu.vector_store %arg13[%swap3A_150, %swap3A_151], %div3A_149 {strides = array<i32>} : memref<64x128xf32, #tpu.memory_space<vmem>>, vector<64x128xf32>,
    } else {
    }
    return
  }
  func.func @transform_0(%arg0: i32) -> (i32, i32, i32) {
    %c0_i32 = arith.constant 0 : i32
    %c0_i32_0 = arith.constant 0 : i32
    %c0_i32_1 = arith.constant 0 : i32
    return %c0_i32, %arg0, %c0_i32_0 : i32, i32, i32
  }
  func.func @transform_1(%arg0: i32) -> (i32, i32, i32) {
    %c0_i32 = arith.constant 0 : i32
    %c0_i32_0 = arith.constant 0 : i32
    %c0_i32_1 = arith.constant 0 : i32
    return %c0_i32, %arg0, %c0_i32_0 : i32, i32, i32
  }
  func.func @transform_2(%arg0: i32) -> (i32, i32) {
    %c0_i32 = arith.constant 0 : i32
    %c0_i32_0 = arith.constant 0 : i32
    return %arg0, %c0_i32 : i32, i32
  }
  func.func @transform_3(%arg0: i32) -> (i32, i32) {
    %c0_i32 = arith.constant 0 : i32
    %c0_i32_0 = arith.constant 0 : i32
    %c0_i32_1 = arith.constant 0 : i32
    return %c0_i32, %c0_i32_0 : i32, i32
  }
  func.func @transform_4(%arg0: i32) -> (i32, i32) {
    %c0_i32 = arith.constant 0 : i32
    %c0_i32_0 = arith.constant 0 : i32
    %c0_i32_1 = arith.constant 0 : i32
    return %c0_i32, %c0_i32_0 : i32, i32
  }
  func.func @transform_5(%arg0: i32) -> (i32, i32) {
    %c0_i32 = arith.constant 0 : i32
    %c0_i32_0 = arith.constant 0 : i32
    %c0_i32_1 = arith.constant 0 : i32
    return %c0_i32, %c0_i32_0 : i32, i32
  }
  func.func @transform_6(%arg0: i32) -> (i32, i32) {
    %c0_i32 = arith.constant 0 : i32
    %c0_i32_0 = arith.constant 0 : i32
    %c0_i32_1 = arith.constant 0 : i32
    return %c0_i32, %c0_i32_0 : i32, i32
  }
  func.func @transform_7(%arg0: i32) -> (i32, i32) {
    %c0_i32 = arith.constant 0 : i32
    %c0_i32_0 = arith.constant 0 : i32
    %c0_i32_1 = arith.constant 0 : i32
    return %c0_i32, %c0_i32_0 : i32, i32
  }
  func.func @transform_8(%arg0: i32) -> (i32, i32) {
    %c0_i32 = arith.constant 0 : i32
    %c0_i32_0 = arith.constant 0 : i32
    %c0_i32_1 = arith.constant 0 : i32
    return %c0_i32, %c0_i32_0 : i32, i32
  }
  func.func @transform_9(%arg0: i32) -> (i32, i32) {
    %c0_i32 = arith.constant 0 : i32
    %c0_i32_0 = arith.constant 0 : i32
    %c0_i32_1 = arith.constant 0 : i32
    return %c0_i32, %c0_i32_0 : i32, i32
  }
  func.func @transform_10(%arg0: i32) -> (i32, i32) {
    %c0_i32 = arith.constant 0 : i32
    %c0_i32_0 = arith.constant 0 : i32
    %c0_i32_1 = arith.constant 0 : i32
    return %c0_i32, %c0_i32_0 : i32, i32
  }
  func.func @transform_11(%arg0: i32) -> (i32, i32) {
    %c0_i32 = arith.constant 0 : i32
    %c0_i32_0 = arith.constant 0 : i32
    %c0_i32_1 = arith.constant 0 : i32
    return %c0_i32, %c0_i32_0 : i32, i32
  }
  func.func @transform_12(%arg0: i32) -> (i32, i32) {
    %c0_i32 = arith.constant 0 : i32
    %c0_i32_0 = arith.constant 0 : i32
    %c0_i32_1 = arith.constant 0 : i32
    return %c0_i32, %c0_i32_0 : i32, i32
  }
}

</mosaic_0001>

<sc_bundles>
// kernel: kernel.6.cloned.1.call-start
scs
__scs_entry_jumppad:
0x0: {  	(pc) =	sbr.rel $0x88, $3  }
0x1: {  	(tag) =	ssettag $0x0;
	lr =	simm.s32 $0x1  }
0x2: {  	[smem:$0x3F94] =	sst lr;
	_ =	strace $0xD0000000  }
0x3: {  	_ = 	snop  }
0x4: {  	_ = 	snop  }
0x5: {  	_ = 	snop  }
0x6: {  	_ = 	snop  }
0x7: {  	_ = 	snop  }
__scs_overlays_trampoline_lowered:
0x8: {  	[smem:$0x3FA3] =	sst s0  }
0x9: {  	[smem:$0x3FA4] =	sst s1  }
0xa: {  	[smem:$0x3FA5] =	sst s2  }
0xb: {  	[smem:$0x3FA6] =	sst s3  }
0xc: {  	[smem:$0x3FA7] =	sst s4  }
0xd: {  	[smem:$0x3FA8] =	sst s5  }
0xe: {  	[smem:$0x3FA9] =	sst s6  }
0xf: {  	[smem:$0x3FAA] =	sst s7  }
0x10: {  	[smem:$0x3FAB] =	sst s8  }
0x11: {  	[smem:$0x3FAC] =	sst s9;
	s0 =	simm.s32 @!p0 $0x0  }
0x12: {  	s1 =	sld [smem:$0x3F92];
	s0 =	simm.s32 @p0 $0x1  }
0x13: {  	[smem:$0x3FAD] =	sst s0;
	s0 =	simm.s32 @!p1 $0x0  }
0x14: {  	s2 =	sld [smem:$0x3F91];
	s0 =	simm.s32 @p1 $0x1  }
0x15: {  	[smem:$0x3FAE] =	sst s0;
	s0 =	simm.s32 @!p2 $0x0  }
0x16: {  	s3 =	sld [smem:$0x3FDB];
	s0 =	simm.s32 @p2 $0x1  }
0x17: {  	s4 =	simm.s32 $0x1BF5;
	[smem:$0x3FB0] =	sst s0  }
0x18: {  	s0 =	sld [smem:$0x3F93];
	_ =	swait.ge [sflag:s4], $0x0  }
0x19: {  	s7 =	sld [smem:$0x3F94]  }
0x1a: {  	s8 =	sadd.s32 $0xFFFFE003, lr  }
0x1b: {  	s9 =	sadd.s32 $0xFFFFFEF7, lr;
	s5 =	simm.s32 $0xFFFFFFFF;
	p2 =	slt.u32 s8, $0xFFFFF086  }
0x1c: {  	p1 =	slt.u32 s9, $0xF7A;
	s5 =	simm.s32 @!p2 $0x0  }
0x1d: {  	s5 =	simm.s32 @p1 $0x1;
	p0 =	seq.s32 s7, s2  }
0x1e: {  	s7 =	smul.u32 @!p0 $0xF7A, s2;
	p2 =	seq.s32 @!p0 s5, $0x0  }
0x1f: {  	s9 =	smul.u32 $0xF7A, s1;
	s8 =	simm.s32 @!p0 $0x1BF5;
	p2 =	por !p2, p0  }
0x20: {  	[sflag:s8] =	ssyncset.s32 @!p0 $0xFFFFF086;
	s6 =	sadd.s32 @!p0 s3, s7;
	s7 =	simm.s32 @!p0 $0x108  }
0x21: {  	s3 =	sadd.s32 s3, s9;
	s6 =	sadd.s32 @!p0 $0x88, s6;
	s7 =	simm.s32 @p2 $0x1082  }
0x22: {  	[simem:s7], [sflag:s8] =	dma.local @!p0 [hbm:s6], $0xF7A  }
0x23: {  	s9 =	sor.u32 $0xD0000000, s2;
	s6 =	simm.s32 $0x108;
	_ =	swait.ge @!p0 [sflag:s8], $0x0  }
0x24: {  	s3 =	sadd.s32 $0x88, s3;
	s6 =	simm.s32 @!p1 $0x1082;
	[sflag:s4] =	ssyncset.s32 $0xFFFFF086  }
0x25: {  	[simem:s6], [sflag:s4] =	dma.local [hbm:s3], $0xF7A  }
0x26: {  	[smem:$0x3F94] =	sst s1;
	(tag) =	ssettag s2;
	_ =	strace s9  }
0x27: {  	s1 =	sld [smem:$0x3FA4]  }
0x28: {  	s2 =	sld [smem:$0x3FA5]  }
0x29: {  	s4 =	sld [smem:$0x3FA7]  }
0x2a: {  	p0 =	seq.s32 s5, $0x0;
	s5 =	sld [smem:$0x3FA8]  }
0x2b: {  	s6 =	sld [smem:$0x3FA9]  }
0x2c: {  	s7 =	sld [smem:$0x3FAA]  }
0x2d: {  	s3 =	simm.s32 $0x108;
	s8 =	sld [smem:$0x3FAB]  }
0x2e: {  	s3 =	simm.s32 @!p0 $0x1082;
	s9 =	sld [smem:$0x3FAC]  }
0x2f: {  	lr =	sadd.s32 s0, s3;
	s0 =	sld [smem:$0x3FA3]  }
0x30: {  	s3 =	sld [smem:$0x3FA6]  }
0x31: {  	[smem:$0x3FAF] =	sst s10  }
0x32: {  	s10 =	sld [smem:$0x3FAD];
	_ =	sdelay $0x3  }
0x33: {  	p0 =	seq.s32 s10, $0x1;
	s10 =	sld [smem:$0x3FAF];
	_ =	sdelay $0x3  }
0x34: {  	[smem:$0x3FAF] =	sst s10  }
0x35: {  	s10 =	sld [smem:$0x3FAE];
	_ =	sdelay $0x3  }
0x36: {  	p1 =	seq.s32 s10, $0x1;
	s10 =	sld [smem:$0x3FAF];
	_ =	sdelay $0x3  }
0x37: {  	[smem:$0x3FAF] =	sst s10  }
0x38: {  	s10 =	sld [smem:$0x3FB0]  }
0x39: {  	_ = 	snop;
	(pc) =	sbr.ind lr, $3  }
0x3a: {  	_ = 	snop  }
0x3b: {  	_ = 	snop  }
0x3c: {  	p2 =	seq.s32 s10, $0x1;
	s10 =	sld [smem:$0x3FAF]  }
0x3d: {  	_ =	shalt  }
0x3e: {  	_ =	shalt  }
0x3f: {  	_ =	shalt  }
0x40: {  	_ =	shalt  }
0x41: {  	_ =	shalt  }
0x42: {  	_ =	shalt  }
0x43: {  	_ =	shalt  }
0x44: {  	_ =	shalt  }
0x45: {  	_ =	shalt  }
0x46: {  	_ =	shalt  }
0x47: {  	_ =	shalt  }
0x48: {  	_ =	shalt  }
0x49: {  	_ =	shalt  }
0x4a: {  	_ =	shalt  }
0x4b: {  	_ =	shalt  }
0x4c: {  	_ =	shalt  }
0x4d: {  	_ =	shalt  }
0x4e: {  	_ =	shalt  }
0x4f: {  	_ =	shalt  }
0x50: {  	_ =	shalt  }
0x51: {  	_ =	shalt  }
0x52: {  	_ =	shalt  }
0x53: {  	_ =	shalt  }
0x54: {  	_ =	shalt  }
0x55: {  	_ =	shalt  }
0x56: {  	_ =	shalt  }
0x57: {  	_ =	shalt  }
0x58: {  	_ =	shalt  }
0x59: {  	_ =	shalt  }
0x5a: {  	_ =	shalt  }
0x5b: {  	_ =	shalt  }
0x5c: {  	_ =	shalt  }
0x5d: {  	_ =	shalt  }
0x5e: {  	_ =	shalt  }
0x5f: {  	_ =	shalt  }
0x60: {  	_ =	shalt  }
0x61: {  	_ =	shalt  }
0x62: {  	_ =	shalt  }
0x63: {  	_ =	shalt  }
0x64: {  	_ =	shalt  }
0x65: {  	_ =	shalt  }
0x66: {  	_ =	shalt  }
0x67: {  	_ =	shalt  }
0x68: {  	_ =	shalt  }
0x69: {  	_ =	shalt  }
0x6a: {  	_ =	shalt  }
0x6b: {  	_ =	shalt  }
0x6c: {  	_ =	shalt  }
0x6d: {  	_ =	shalt  }
0x6e: {  	_ =	shalt  }
0x6f: {  	_ =	shalt  }
0x70: {  	_ =	shalt  }
0x71: {  	_ =	shalt  }
0x72: {  	_ =	shalt  }
0x73: {  	_ =	shalt  }
0x74: {  	_ =	shalt  }
0x75: {  	_ =	shalt  }
0x76: {  	_ =	shalt  }
0x77: {  	_ =	shalt  }
0x78: {  	_ =	shalt  }
0x79: {  	_ =	shalt  }
0x7a: {  	_ =	shalt  }
0x7b: {  	_ =	shalt  }
0x7c: {  	_ =	shalt  }
0x7d: {  	_ =	shalt  }
0x7e: {  	_ =	shalt  }
0x7f: {  	_ =	shalt  }
0x80: {  	_ =	shalt  }
0x81: {  	_ =	shalt  }
0x82: {  	_ =	shalt  }
0x83: {  	_ =	shalt  }
0x84: {  	_ =	shalt  }
0x85: {  	_ =	shalt  }
0x86: {  	_ =	shalt  }
0x87: {  	_ =	shalt  }
.Lfunc_end0:
.L_simem_size_0:
called_computation_lowered:
.L_overlay_start_0:
0x88: {  	s2 =	sld [smem:$0x3FD9]  }
0x89: {  	s3 =	sld [smem:$0x3FFE];
	_ =	sdelay $0x1  }
0x8a: {  	s1 =	srdreg.scid  }
0x8b: {  	s0 =	sand.u32 $0x1, s1  }
0x8c: {  	s16 =	sshll.u32 s0, $0xA;
	s2 =	sadd.s32 s3, s2  }
0x8d: {  	s2 =	sadd.s32 s2, s16  }
0x8e: {  	[smem:$0x3FBB] =	sst s2  }
0x8f: {  	_ = 	snop  }
0x90: {  	(tm) =	ssettm $0x1  }
0x91: {  	s17 =	sld [smem:$0x3FFB];
	_ =	sdelay $0x3  }
0x92: {  	_ =	strace s17  }
0x93: {  	s2 =	sld [smem:$0x3FFC];
	_ =	sdelay $0x3  }
0x94: {  	_ =	strace s2  }
0x95: {  	s2 =	sld [smem:$0x3FFD];
	_ =	sdelay $0x3  }
0x96: {  	_ =	strace s2  }
0x97: {  	_ =	strace $0x8FFFFFFF  }
0x98: {  	s18 =	sld [smem:$0x3FDB];
	_ =	sdelay $0x1  }
0x99: {  	s19 =	simm.s32 $_scs_section_size  }
0x9a: {  	s4 =	simm.s32 $_size__tile_overlayer_lowered;
	s5 =	simm.s32 $_tile_overlayer_lowered  }
0x9b: {  	s22 =	simm.s32 $0x1BFF;
	s21 =	sshll.u32 s5, $0x1;
	s2 =	sadd.s32 s19, s18  }
0x9c: {  	s6 =	simm.s32 $0x0;
	s20 =	sshll.u32 s4, $0x1;
	s4 =	sadd.s32 s21, s2  }
0x9d: {  	[timem:s6], [sflag:s22] =	dma.local [hbm:s4], s20  }
0x9e: {  	_ =	swait.ge [sflag:s22], s20  }
0x9f: {  	s3 =	ssub.s32 $0x0, s20;
	[sflag:s22] =	ssyncset.done $0x0  }
0xa0: {  	[sflag:s22] =	ssyncadd.s32 s3;
	_ =	sdelay $0x1  }
0xa1: {  	s23 =	simm.s32 $0x1B8B  }
0xa2: {  	_ =	swait.ge [sflag:s23], $0x1  }
0xa3: {  	[sflag:s23] =	ssyncset.done $0x0  }
0xa4: {  	s25 =	simm.s32 $0x1B8E;
	s24 =	sld [smem:$0x3FFE];
	[sflag:s23] =	ssyncadd.s32 $0xFFFFFFFF  }
0xa5: {  	s26 =	simm.s32 $execute0_lowered;
	[smem:$0x3FD2] =	sst s25  }
0xa6: {  	s4 =	sshll.u32 s26, $0x1;
	_ =	strace $0x80000046;
	[dreg:$0x1] =	wrdreg $0xFFFFFFFF  }
0xa7: {  	s28 =	simm.s32 $_size_execute0_lowered;
	s2 =	sadd.s32 s2, s4;
	[dreg:$0x0] =	wrdreg $0x0  }
0xa8: {  	s4 =	sshll.u32 s28, $0x1;
	[dreg:$0x2] =	wrdreg s2  }
0xa9: {  	[dreg:$0x3] =	wrdreg s4  }
0xaa: {  	[dreg:$0x4] =	wrdreg $0xC0  }
0xab: {  	_ =	task [dreg:s6], $0x5FFFF  }
0xac: {  	[dreg:$0x1] =	wrdreg $0xFFFFFFFF  }
0xad: {  	[dreg:$0x0] =	wrdreg $0x60  }
0xae: {  	[dreg:$0x2] =	wrdreg s24  }
0xaf: {  	[dreg:$0x3] =	wrdreg $0x9  }
0xb0: {  	_ =	task.clear_ibuf [dreg:s6], $0x4FFFF;
	_ =	strace $0x90000046  }
0xb1: {  	s29 =	simm.s32 $0x9;
	_ =	strace $0x80000048  }
0xb2: {  	_ =	swait.ge [sflag:s29], $0x1  }
0xb3: {  	[sflag:s29] =	ssyncadd.s32 $0xFFFFFFFF  }
0xb4: {  	_ =	strace $0x90000048  }
0xb5: {  	_ =	sfence  }
0xb6: {  	s30 =	sld [smem:$0x0];
	_ =	sdelay $0x2  }
0xb7: {  	s31 =	sshll.u32 s1, $0xD;
	s1 =	sshrl.u32 s1, $0x2  }
0xb8: {  	s3 =	sand.u32 $0x4000, s31;
	s1 =	sadd.s32 s1, s30  }
0xb9: {  	s0 =	sor.u32 s3, s0;
	s1 =	sshll.u32 s1, $0x11  }
0xba: {  	s0 =	sor.u32 s1, s0  }
0xbb: {  	s0 =	sadd.s32 $0x8F2B, s0  }
0xbc: {  	[sflag:s0] =	ssyncadd.remote.s32 $0x1  }
0xbd: {  	_ =	sfence.sel $0xFFFF  }
0xbe: {  	[dreg:$0x0] =	wrdreg $0xFFFFFFFF;
	(pc) =	sbr.abs _section_cstart, $3  }
0xbf: {  	[dreg:$0x1] =	wrdreg $0xFFFFFFFF  }
0xc0: {  	_ =	task.clear_ibuf [dreg:s6], $0x2FFFF;
	_ =	strace $0x9FFFFFFF  }
0xc1: {  	(tm) =	ssettm $0x7FFFFFFF  }
tec
execute0_lowered:
.L_overlay_start_1:
0x0: {  	(tag) =	ssettag $0x1  }
0x1: {  	s1 =	srdreg.scid  }
0x2: {  	s0 =	stileid.u32;
	s5 =	rddreg [dreg:$0x0]  }
0x3: {  	s2 =	simm.s32 $0x0;
	s8 =	simm.s32 $0x1;
	s9 =	simm.s32 $0x1400  }
0x4: {  	s10 =	simm.s32 $0x0;
	s3 =	sand.u32 $0x1, s1;
	s29 =	sshll.u32 s0, $0x1  }
0x5: {  	s30 =	sshrl.u32 s0, $0x2;
	s1 =	rddreg [dreg:$0x1];
	s4 =	sor.u32 s3, s29  }
0x6: {  	[smem:$0x7FF] =	sst s2;
	s6 =	smul.u32 $0xA000, s30;
	s7 =	sshll.u32 s4, $0x7  }
0x7: {  	s3 =	ssub.s32 $0x2, s3;
	s4 =	smul.u32 $0x500, s4;
	s7 =	sand.u32 $0x380, s7  }
0x8: {  	_ =	strace $0x80000047;
	s31 =	sshrl.u32 s3, $0x1;
	s6 =	sor.u32 s6, s7  }
0x9: {  	s4 =	sadd.s32 s4, s5;
	s7 =	simm.s32 $0x400;
	s6 =	sshrl.u32 s6, $0x3  }
0xa: {  	s4 =	sadd.s32 $0x5600, s4;
	s6 =	sadd.s32 s6, s5;
	s5 =	ssub.s32 s3, s31  }
0xb: {  	v0 =	vimm.f32 $0.0e+00;
	v1 =	vimm.f32 $1.000000000e+00;
	s3 =	sadd.s32 $0x600, s6;
	s5 =	smax.u32 s5, $0x1;
	s6 =	simm.s32 $0x80  }
.LBB2_1:
0xc: {  	[tilespmem:s2], [sflag:$0x1] =	stream.strided.gather [hbm4b:s3+s6], $0x1400, s7, s6, $0x38;
	[tilespmem:$0x3C00] =	vst v63  }
0xd: {  	_ =	swait.ge [sflag:s8], $0x1400  }
0xe: {  	[sflag:s8] =	ssyncset.done $0x0  }
0xf: {  	s11 =	simm.s32 $0x70;
	s12 =	simm.s32 $0x3C0;
	[sflag:s8] =	ssyncadd.s32 $0xFFFFEC00  }
.LBB2_2:
0x10: {  	p0 =	sne.s32 s12, $0x9FC0;
	[tilespmem:s11+$0x1400] =	vst v0  }
0x11: {  	[tilespmem:s11+$0x1390] =	vst v0  }
0x12: {  	[tilespmem:s11+$0x13A0] =	vst v0  }
.Ltmp0:
0x13: {  	[tilespmem:s11+$0x13B0] =	vst v0;
	(pc) =	sbr.rel @p0 .LBB2_2-.Ltmp0, $4  }
0x14: {  	[tilespmem:s11+$0x13C0] =	vst v0  }
0x15: {  	[tilespmem:s11+$0x13D0] =	vst v0  }
0x16: {  	[tilespmem:s11+$0x13E0] =	vst v0  }
0x17: {  	[tilespmem:s11+$0x13F0] =	vst v0;
	s11 =	sshra.s32 s12, $0x2;
	s12 =	sadd.s32 $0x200, s12  }
0x18: {  	[tilespmem:s11+$0x1400] =	vst v0  }
0x19: {  	[tilespmem:s11+$0x1390] =	vst v0  }
0x1a: {  	[tilespmem:s11+$0x13A0] =	vst v0  }
0x1b: {  	[tilespmem:s11+$0x13B0] =	vst v0  }
0x1c: {  	[tilespmem:s11+$0x13C0] =	vst v0  }
0x1d: {  	[tilespmem:s11+$0x13D0] =	vst v0  }
0x1e: {  	[tilespmem:s11+$0x13E0] =	vst v0  }
0x1f: {  	[tilespmem:s11+$0x13F0] =	vst v0;
	s12 =	simm.s32 $0x0;
	s11 =	simm.s32 $0x40  }
.LBB2_4:
0x20: {  	p0 =	sne.s32 s11, $0x4FC0;
	v2 =	vld [tilespmem:s12+$0x0];
	_ =	sdelay $0x3  }
.Ltmp1:
0x21: {  	(pc) =	sbr.rel @p0 .LBB2_4-.Ltmp1, $2  }
0x22: {  	_ =	sdelay $0x2  }
0x23: {  	s12 =	sshra.s32 s11, $0x2;
	s11 =	sadd.s32 $0x40, s11;
	[tilespmem:v2+s9+$0x0] =	vst.idx.add.f32.msk $0xffff, v1  }
0x24: {  	v2 =	vld [tilespmem:s12+$0x0];
	_ =	sdelay $0x5  }
0x25: {  	s10 =	sadd.s32 $0x1, s10  }
0x26: {  	p0 =	sne.s32 s10, s5  }
.Ltmp2:
0x27: {  	[tilespmem:v2+s9+$0x0] =	vst.idx.add.f32.msk $0xffff, v1;
	(pc) =	sbr.rel @p0 .LBB2_1-.Ltmp2, $4  }
0x28: {  	[hbm4b:s4+s2] =	stream.linear.scatter [tilespmem:s9], [sflag:$0x1], $0x2800, $0x38;
	[tilespmem:$0x3C00] =	vst v63  }
0x29: {  	_ =	swait.ge [sflag:s8], $0x2800  }
0x2a: {  	[sflag:s8] =	ssyncset.done $0x0  }
0x2b: {  	[sflag:s8] =	ssyncadd.s32 $0xFFFFD800  }
0x2c: {  	_ =	sfence.sel $0x180000  }
0x2d: {  	[bflag:$0x0] =	sbarrier.arrive $0xFFFF  }
0x2e: {  	p0 =	sne.s32 s0, $0x0;
	_ =	strace $0x90000047  }
0x2f: {  	s0 =	sadd.s32 @!p0 $0x100000, s1;
	[bflag:$0x2] =	sbarrier.arrive $0xFFFF  }
0x30: {  	[sflag:s0] =	ssyncadd.tile.s32 @!p0 $0x1;
	_ =	shalt  }
.Lfunc_end2:
_tile_overlayer_lowered:
.L_overlay_start_2:
0x31: {  	(tag) =	ssettag $0x2  }
0x32: {  	s0 =	rddreg [dreg:$0x0];
	s2 =	stileid.u32  }
0x33: {  	s1 =	rddreg [dreg:$0x1];
	p0 =	sne.s32 s2, $0x0  }
0x34: {  	s3 =	rddreg [dreg:$0x2];
	[bflag:$0x3] =	sbarrier.arrive $0xFFFF;
	s2 =	simm.s32 @!p0 $0x1C01  }
0x35: {  	[timem:s3], [sflag:s2] =	dma.local @!p0 [hbm:s0], s1  }
0x36: {  	s0 =	simm.s32 @!p0 $0x1  }
0x37: {  	_ =	swait.ge @!p0 [sflag:s0], s1  }
0x38: {  	s1 =	ssub.s32 @!p0 $0x0, s1;
	[sflag:s0] =	ssyncset.done @!p0 $0x0  }
0x39: {  	[sflag:s0] =	ssyncadd.s32 @!p0 s1  }
0x3a: {  	[bflag:$0x3] =	sbarrier.arrive $0xFFFF  }
0x3b: {  	_ =	shalt  }

// kernel: kernel.9.cloned.1.call-start
scs
__scs_entry_jumppad:
0x0: {  	(pc) =	sbr.rel $0x88, $3  }
0x1: {  	(tag) =	ssettag $0x0;
	lr =	simm.s32 $0x1  }
0x2: {  	[smem:$0x3F94] =	sst lr;
	_ =	strace $0xD0000000  }
0x3: {  	_ = 	snop  }
0x4: {  	_ = 	snop  }
0x5: {  	_ = 	snop  }
0x6: {  	_ = 	snop  }
0x7: {  	_ = 	snop  }
__scs_overlays_trampoline_lowered:
0x8: {  	[smem:$0x3FA3] =	sst s0  }
0x9: {  	[smem:$0x3FA4] =	sst s1  }
0xa: {  	[smem:$0x3FA5] =	sst s2  }
0xb: {  	[smem:$0x3FA6] =	sst s3  }
0xc: {  	[smem:$0x3FA7] =	sst s4  }
0xd: {  	[smem:$0x3FA8] =	sst s5  }
0xe: {  	[smem:$0x3FA9] =	sst s6  }
0xf: {  	[smem:$0x3FAA] =	sst s7  }
0x10: {  	[smem:$0x3FAB] =	sst s8  }
0x11: {  	[smem:$0x3FAC] =	sst s9;
	s0 =	simm.s32 @!p0 $0x0  }
0x12: {  	s1 =	sld [smem:$0x3F92];
	s0 =	simm.s32 @p0 $0x1  }
0x13: {  	[smem:$0x3FAD] =	sst s0;
	s0 =	simm.s32 @!p1 $0x0  }
0x14: {  	s2 =	sld [smem:$0x3F91];
	s0 =	simm.s32 @p1 $0x1  }
0x15: {  	[smem:$0x3FAE] =	sst s0;
	s0 =	simm.s32 @!p2 $0x0  }
0x16: {  	s3 =	sld [smem:$0x3FDB];
	s0 =	simm.s32 @p2 $0x1  }
0x17: {  	s4 =	simm.s32 $0x1BF5;
	[smem:$0x3FB0] =	sst s0  }
0x18: {  	s0 =	sld [smem:$0x3F93];
	_ =	swait.ge [sflag:s4], $0x0  }
0x19: {  	s7 =	sld [smem:$0x3F94]  }
0x1a: {  	s8 =	sadd.s32 $0xFFFFE003, lr  }
0x1b: {  	s9 =	sadd.s32 $0xFFFFFEF7, lr;
	s5 =	simm.s32 $0xFFFFFFFF;
	p2 =	slt.u32 s8, $0xFFFFF086  }
0x1c: {  	p1 =	slt.u32 s9, $0xF7A;
	s5 =	simm.s32 @!p2 $0x0  }
0x1d: {  	s5 =	simm.s32 @p1 $0x1;
	p0 =	seq.s32 s7, s2  }
0x1e: {  	s7 =	smul.u32 @!p0 $0xF7A, s2;
	p2 =	seq.s32 @!p0 s5, $0x0  }
0x1f: {  	s9 =	smul.u32 $0xF7A, s1;
	s8 =	simm.s32 @!p0 $0x1BF5;
	p2 =	por !p2, p0  }
0x20: {  	[sflag:s8] =	ssyncset.s32 @!p0 $0xFFFFF086;
	s6 =	sadd.s32 @!p0 s3, s7;
	s7 =	simm.s32 @!p0 $0x108  }
0x21: {  	s3 =	sadd.s32 s3, s9;
	s6 =	sadd.s32 @!p0 $0x88, s6;
	s7 =	simm.s32 @p2 $0x1082  }
0x22: {  	[simem:s7], [sflag:s8] =	dma.local @!p0 [hbm:s6], $0xF7A  }
0x23: {  	s9 =	sor.u32 $0xD0000000, s2;
	s6 =	simm.s32 $0x108;
	_ =	swait.ge @!p0 [sflag:s8], $0x0  }
0x24: {  	s3 =	sadd.s32 $0x88, s3;
	s6 =	simm.s32 @!p1 $0x1082;
	[sflag:s4] =	ssyncset.s32 $0xFFFFF086  }
0x25: {  	[simem:s6], [sflag:s4] =	dma.local [hbm:s3], $0xF7A  }
0x26: {  	[smem:$0x3F94] =	sst s1;
	(tag) =	ssettag s2;
	_ =	strace s9  }
0x27: {  	s1 =	sld [smem:$0x3FA4]  }
0x28: {  	s2 =	sld [smem:$0x3FA5]  }
0x29: {  	s4 =	sld [smem:$0x3FA7]  }
0x2a: {  	p0 =	seq.s32 s5, $0x0;
	s5 =	sld [smem:$0x3FA8]  }
0x2b: {  	s6 =	sld [smem:$0x3FA9]  }
0x2c: {  	s7 =	sld [smem:$0x3FAA]  }
0x2d: {  	s3 =	simm.s32 $0x108;
	s8 =	sld [smem:$0x3FAB]  }
0x2e: {  	s3 =	simm.s32 @!p0 $0x1082;
	s9 =	sld [smem:$0x3FAC]  }
0x2f: {  	lr =	sadd.s32 s0, s3;
	s0 =	sld [smem:$0x3FA3]  }
0x30: {  	s3 =	sld [smem:$0x3FA6]  }
0x31: {  	[smem:$0x3FAF] =	sst s10  }
0x32: {  	s10 =	sld [smem:$0x3FAD];
	_ =	sdelay $0x3  }
0x33: {  	p0 =	seq.s32 s10, $0x1;
	s10 =	sld [smem:$0x3FAF];
	_ =	sdelay $0x3  }
0x34: {  	[smem:$0x3FAF] =	sst s10  }
0x35: {  	s10 =	sld [smem:$0x3FAE];
	_ =	sdelay $0x3  }
0x36: {  	p1 =	seq.s32 s10, $0x1;
	s10 =	sld [smem:$0x3FAF];
	_ =	sdelay $0x3  }
0x37: {  	[smem:$0x3FAF] =	sst s10  }
0x38: {  	s10 =	sld [smem:$0x3FB0]  }
0x39: {  	_ = 	snop;
	(pc) =	sbr.ind lr, $3  }
0x3a: {  	_ = 	snop  }
0x3b: {  	_ = 	snop  }
0x3c: {  	p2 =	seq.s32 s10, $0x1;
	s10 =	sld [smem:$0x3FAF]  }
0x3d: {  	_ =	shalt  }
0x3e: {  	_ =	shalt  }
0x3f: {  	_ =	shalt  }
0x40: {  	_ =	shalt  }
0x41: {  	_ =	shalt  }
0x42: {  	_ =	shalt  }
0x43: {  	_ =	shalt  }
0x44: {  	_ =	shalt  }
0x45: {  	_ =	shalt  }
0x46: {  	_ =	shalt  }
0x47: {  	_ =	shalt  }
0x48: {  	_ =	shalt  }
0x49: {  	_ =	shalt  }
0x4a: {  	_ =	shalt  }
0x4b: {  	_ =	shalt  }
0x4c: {  	_ =	shalt  }
0x4d: {  	_ =	shalt  }
0x4e: {  	_ =	shalt  }
0x4f: {  	_ =	shalt  }
0x50: {  	_ =	shalt  }
0x51: {  	_ =	shalt  }
0x52: {  	_ =	shalt  }
0x53: {  	_ =	shalt  }
0x54: {  	_ =	shalt  }
0x55: {  	_ =	shalt  }
0x56: {  	_ =	shalt  }
0x57: {  	_ =	shalt  }
0x58: {  	_ =	shalt  }
0x59: {  	_ =	shalt  }
0x5a: {  	_ =	shalt  }
0x5b: {  	_ =	shalt  }
0x5c: {  	_ =	shalt  }
0x5d: {  	_ =	shalt  }
0x5e: {  	_ =	shalt  }
0x5f: {  	_ =	shalt  }
0x60: {  	_ =	shalt  }
0x61: {  	_ =	shalt  }
0x62: {  	_ =	shalt  }
0x63: {  	_ =	shalt  }
0x64: {  	_ =	shalt  }
0x65: {  	_ =	shalt  }
0x66: {  	_ =	shalt  }
0x67: {  	_ =	shalt  }
0x68: {  	_ =	shalt  }
0x69: {  	_ =	shalt  }
0x6a: {  	_ =	shalt  }
0x6b: {  	_ =	shalt  }
0x6c: {  	_ =	shalt  }
0x6d: {  	_ =	shalt  }
0x6e: {  	_ =	shalt  }
0x6f: {  	_ =	shalt  }
0x70: {  	_ =	shalt  }
0x71: {  	_ =	shalt  }
0x72: {  	_ =	shalt  }
0x73: {  	_ =	shalt  }
0x74: {  	_ =	shalt  }
0x75: {  	_ =	shalt  }
0x76: {  	_ =	shalt  }
0x77: {  	_ =	shalt  }
0x78: {  	_ =	shalt  }
0x79: {  	_ =	shalt  }
0x7a: {  	_ =	shalt  }
0x7b: {  	_ =	shalt  }
0x7c: {  	_ =	shalt  }
0x7d: {  	_ =	shalt  }
0x7e: {  	_ =	shalt  }
0x7f: {  	_ =	shalt  }
0x80: {  	_ =	shalt  }
0x81: {  	_ =	shalt  }
0x82: {  	_ =	shalt  }
0x83: {  	_ =	shalt  }
0x84: {  	_ =	shalt  }
0x85: {  	_ =	shalt  }
0x86: {  	_ =	shalt  }
0x87: {  	_ =	shalt  }
.Lfunc_end0:
.L_simem_size_0:
called_computation.1_lowered:
.L_overlay_start_0:
0x88: {  	s2 =	sld [smem:$0x3FD9]  }
0x89: {  	s3 =	sld [smem:$0x3FFE];
	_ =	sdelay $0x1  }
0x8a: {  	s1 =	srdreg.scid  }
0x8b: {  	s0 =	sand.u32 $0x1, s1  }
0x8c: {  	s16 =	sshll.u32 s0, $0xA;
	s2 =	sadd.s32 s3, s2  }
0x8d: {  	s2 =	sadd.s32 s2, s16  }
0x8e: {  	[smem:$0x3FBB] =	sst s2  }
0x8f: {  	_ = 	snop  }
0x90: {  	(tm) =	ssettm $0x1  }
0x91: {  	s17 =	sld [smem:$0x3FFB];
	_ =	sdelay $0x3  }
0x92: {  	_ =	strace s17  }
0x93: {  	s2 =	sld [smem:$0x3FFC];
	_ =	sdelay $0x3  }
0x94: {  	_ =	strace s2  }
0x95: {  	s2 =	sld [smem:$0x3FFD];
	_ =	sdelay $0x3  }
0x96: {  	_ =	strace s2  }
0x97: {  	_ =	strace $0x8FFFFFFF  }
0x98: {  	s18 =	sld [smem:$0x3FDB];
	_ =	sdelay $0x1  }
0x99: {  	s19 =	simm.s32 $_scs_section_size  }
0x9a: {  	s4 =	simm.s32 $_size__tile_overlayer_lowered;
	s5 =	simm.s32 $_tile_overlayer_lowered  }
0x9b: {  	s22 =	simm.s32 $0x1BFF;
	s21 =	sshll.u32 s5, $0x1;
	s2 =	sadd.s32 s19, s18  }
0x9c: {  	s6 =	simm.s32 $0x0;
	s20 =	sshll.u32 s4, $0x1;
	s4 =	sadd.s32 s21, s2  }
0x9d: {  	[timem:s6], [sflag:s22] =	dma.local [hbm:s4], s20  }
0x9e: {  	_ =	swait.ge [sflag:s22], s20  }
0x9f: {  	s3 =	ssub.s32 $0x0, s20;
	[sflag:s22] =	ssyncset.done $0x0  }
0xa0: {  	[sflag:s22] =	ssyncadd.s32 s3;
	_ =	sdelay $0x1  }
0xa1: {  	s23 =	simm.s32 $0x1B8B  }
0xa2: {  	_ =	swait.ge [sflag:s23], $0x1  }
0xa3: {  	[sflag:s23] =	ssyncset.done $0x0  }
0xa4: {  	s25 =	simm.s32 $0x1B8E;
	s24 =	sld [smem:$0x3FFE];
	[sflag:s23] =	ssyncadd.s32 $0xFFFFFFFF  }
0xa5: {  	s26 =	simm.s32 $execute0_lowered;
	[smem:$0x3FD2] =	sst s25  }
0xa6: {  	s4 =	sshll.u32 s26, $0x1;
	_ =	strace $0x80000049;
	[dreg:$0x1] =	wrdreg $0xFFFFFFFF  }
0xa7: {  	s28 =	simm.s32 $_size_execute0_lowered;
	s2 =	sadd.s32 s2, s4;
	[dreg:$0x0] =	wrdreg $0x0  }
0xa8: {  	s4 =	sshll.u32 s28, $0x1;
	[dreg:$0x2] =	wrdreg s2  }
0xa9: {  	[dreg:$0x3] =	wrdreg s4  }
0xaa: {  	[dreg:$0x4] =	wrdreg $0xC0  }
0xab: {  	_ =	task [dreg:s6], $0x5FFFF  }
0xac: {  	[dreg:$0x1] =	wrdreg $0xFFFFFFFF  }
0xad: {  	[dreg:$0x0] =	wrdreg $0x60  }
0xae: {  	[dreg:$0x2] =	wrdreg s24  }
0xaf: {  	[dreg:$0x3] =	wrdreg $0xB0000  }
0xb0: {  	[dreg:$0x4] =	wrdreg $0x9  }
0xb1: {  	_ =	task.clear_ibuf [dreg:s6], $0x5FFFF;
	_ =	strace $0x90000049  }
0xb2: {  	s29 =	simm.s32 $0x9;
	_ =	strace $0x8000004B  }
0xb3: {  	_ =	swait.ge [sflag:s29], $0x1  }
0xb4: {  	[sflag:s29] =	ssyncadd.s32 $0xFFFFFFFF  }
0xb5: {  	_ =	strace $0x9000004B  }
0xb6: {  	_ =	sfence  }
0xb7: {  	s30 =	sld [smem:$0x0];
	_ =	sdelay $0x2  }
0xb8: {  	s31 =	sshll.u32 s1, $0xD;
	s1 =	sshrl.u32 s1, $0x2  }
0xb9: {  	s3 =	sand.u32 $0x4000, s31;
	s1 =	sadd.s32 s1, s30  }
0xba: {  	s0 =	sor.u32 s3, s0;
	s1 =	sshll.u32 s1, $0x11  }
0xbb: {  	s0 =	sor.u32 s1, s0  }
0xbc: {  	s0 =	sadd.s32 $0x8F2B, s0  }
0xbd: {  	[sflag:s0] =	ssyncadd.remote.s32 $0x1  }
0xbe: {  	_ =	sfence.sel $0xFFFF  }
0xbf: {  	[dreg:$0x0] =	wrdreg $0xFFFFFFFF;
	(pc) =	sbr.abs _section_cstart, $3  }
0xc0: {  	[dreg:$0x1] =	wrdreg $0xFFFFFFFF  }
0xc1: {  	_ =	task.clear_ibuf [dreg:s6], $0x2FFFF;
	_ =	strace $0x9FFFFFFF  }
0xc2: {  	(tm) =	ssettm $0x7FFFFFFF  }
0xc3: {  	_ =	shalt  }
tec
execute0_lowered:
.L_overlay_start_1:
0x0: {  	(tag) =	ssettag $0x1  }
0x1: {  	s0 =	rddreg [dreg:$0x0]  }
0x2: {  	s1 =	rddreg [dreg:$0x1];
	s9 =	simm.s32 $0x0;
	s2 =	srdreg.scid  }
0x3: {  	s10 =	stileid.u32;
	s15 =	simm.s32 $0x4;
	s16 =	simm.s32 $0x2800  }
0x4: {  	s17 =	simm.s32 $0x40;
	s18 =	simm.s32 $0x5000;
	s19 =	simm.s32 $0x80  }
0x5: {  	s20 =	simm.s32 $0x7000;
	s21 =	simm.s32 $0x100;
	s22 =	simm.s32 $0x9000  }
0x6: {  	s28 =	simm.s32 $0x2700;
	s29 =	simm.s32 $0x4E00;
	s30 =	simm.s32 $0x2780  }
0x7: {  	s31 =	simm.s32 $0x4E80;
	[smem:$0x7FF] =	sst s9;
	s4 =	sadd.s32 $0x541600, s0  }
0x8: {  	s2 =	sand.u32 $0x1, s2;
	s5 =	sadd.s32 $0x19600, s0;
	s6 =	sadd.s32 $0xF600, s0  }
0x9: {  	s8 =	smul.u32 $0x50000, s10;
	s11 =	sadd.s32 $0x600, s0;
	s0 =	sadd.s32 $0x41600, s0  }
0xa: {  	s25 =	sshll.u32 s10, $0x6;
	s26 =	smul.u32 $0x280, s10;
	s12 =	sshll.u32 s10, $0x1  }
0xb: {  	_ =	strace $0x8000004A;
	s3 =	ssub.s32 $0x2, s2;
	[dreg:$0x4] =	wrdreg s11  }
0xc: {  	[dreg:$0x5] =	wrdreg s0;
	s2 =	sshll.u32 s2, $0x1;
	s11 =	sor.u32 $0x1C04, s25  }
0xd: {  	s25 =	simm.s32 $0x3;
	s7 =	sshrl.u32 s3, $0x1;
	[dreg:$0x6] =	wrdreg s2  }
0xe: {  	s24 =	sshrl.u32 s8, $0x2;
	[dreg:$0x7] =	wrdreg s26;
	s26 =	simm.s32 $0x4D80  }
0xf: {  	s23 =	ssub.s32 s3, s7;
	s2 =	sadd.s32 s24, s1;
	s24 =	simm.s32 $0x2  }
0x10: {  	s3 =	simm.s32 $0x4F80;
	s0 =	smax.u32 s23, $0x1;
	s14 =	sshrl.u32 s2, $0x3  }
0x11: {  	s23 =	simm.s32 $0x1;
	[dreg:$0x8] =	wrdreg s0;
	s0 =	simm.s32 $0x4F00  }
.LBB2_1:
0x12: {  	[dreg:$0x3] =	wrdreg s9;
	p1 =	por $0x1, $0x1;
	s2 =	simm.s32 $0x0  }
.LBB2_2:
0x13: {  	s7 =	rddreg [dreg:$0x4]  }
0x14: {  	[spmem:s14], [sflag:s11] =	dma.local [hbm:s7], $0x2800  }
0x15: {  	_ =	swait.ge [sflag:s15], $0x2800  }
0x16: {  	p0 =	por p1, p1;
	s13 =	rddreg [dreg:$0x6]  }
0x17: {  	p2 =	por $0x1, $0x1;
	[sflag:s15] =	ssyncset.done $0x0;
	s13 =	sor.u32 s13, s2  }
0x18: {  	s8 =	simm.s32 $0x0;
	[sflag:s15] =	ssyncadd.s32 $0xFFFFD800;
	s2 =	sshll.u32 s13, $0x5  }
0x19: {  	s7 =	simm.s32 $0x0;
	[bflag:$0x0] =	sbarrier.arrive $0xFFFF;
	s2 =	sor.u32 s12, s2  }
.LBB2_3:
0x1a: {  	s9 =	sor.u32 s2, s8  }
0x1b: {  	s9 =	smul.u32 $0x500, s9;
	_ =	sdelay $0x1  }
0x1c: {  	s9 =	sadd.s32 s5, s9  }
0x1d: {  	[tilespmem:s7], [sflag:$0x4] =	stream.linear.gather [hbm4b:s9+s7], $0x2800, $0x38;
	[tilespmem:$0x1F000] =	vst v63  }
0x1e: {  	s9 =	sor.u32 s12, s8  }
0x1f: {  	_ =	swait.ge [sflag:s15], $0x2800;
	s8 =	smul.u32 $0x500, s9  }
0x20: {  	[sflag:s15] =	ssyncset.done $0x0  }
0x21: {  	[sflag:s15] =	ssyncadd.s32 $0xFFFFD800;
	s8 =	sadd.s32 s6, s8  }
0x22: {  	[tilespmem:s16], [sflag:$0x4] =	stream.linear.gather [hbm4b:s8+s7], $0x2800, $0x38;
	[tilespmem:$0x1F000] =	vst v63  }
0x23: {  	_ =	swait.ge [sflag:s15], $0x2800  }
0x24: {  	[sflag:s15] =	ssyncset.done $0x0  }
0x25: {  	[sflag:s15] =	ssyncadd.s32 $0xFFFFD800  }
0x26: {  	[tilespmem:s18], [sflag:$0x1] =	stream.indirect.gather [hbm4b:s4+s17], $0x80, s7, s17, $0xb8;
	[tilespmem:$0x1F000] =	vst v63  }
0x27: {  	_ = 	snop  }
0x28: {  	[tilespmem:s20], [sflag:$0x2] =	stream.indirect.gather [hbm4b:s4+s17], $0x80, s19, s17, $0xb8;
	[tilespmem:$0x1F000] =	vst v63  }
0x29: {  	_ = 	snop  }
0x2a: {  	[tilespmem:s22], [sflag:$0x3] =	stream.indirect.gather [hbm4b:s4+s17], $0x80, s21, s17, $0xb8;
	[tilespmem:$0x1F000] =	vst v63  }
0x2b: {  	_ =	swait.ge [sflag:s23], $0x2000  }
0x2c: {  	[sflag:s23] =	ssyncset.done $0x0  }
0x2d: {  	s10 =	simm.s32 $0x2800;
	[sflag:s23] =	ssyncadd.s32 $0xFFFFE000  }
0x2e: {  	[spmem:s1] =	stream.indirect.scatter.add.f32 [tilespmem:s18], [sflag:$0x4], $0x80, s10, s17, $0xb8;
	[tilespmem:$0x1F000] =	vst v63  }
0x2f: {  	_ =	swait.ge [sflag:s15], $0x2000  }
0x30: {  	[sflag:s15] =	ssyncset.done $0x0  }
0x31: {  	s9 =	simm.s32 $0x180;
	[sflag:s15] =	ssyncadd.s32 $0xFFFFE000  }
0x32: {  	[tilespmem:s18], [sflag:$0x1] =	stream.indirect.gather [hbm4b:s4+s17], $0x80, s9, s17, $0xb8;
	[tilespmem:$0x1F000] =	vst v63  }
0x33: {  	_ =	swait.ge [sflag:s24], $0x2000  }
0x34: {  	[sflag:s24] =	ssyncset.done $0x0  }
0x35: {  	s10 =	simm.s32 $0x2880;
	[sflag:s24] =	ssyncadd.s32 $0xFFFFE000  }
0x36: {  	[spmem:s1] =	stream.indirect.scatter.add.f32 [tilespmem:s20], [sflag:$0x4], $0x80, s10, s17, $0xb8;
	[tilespmem:$0x1F000] =	vst v63  }
0x37: {  	_ =	swait.ge [sflag:s15], $0x2000  }
0x38: {  	[sflag:s15] =	ssyncset.done $0x0  }
0x39: {  	s9 =	simm.s32 $0x200;
	[sflag:s15] =	ssyncadd.s32 $0xFFFFE000  }
0x3a: {  	[tilespmem:s20], [sflag:$0x2] =	stream.indirect.gather [hbm4b:s4+s17], $0x80, s9, s17, $0xb8;
	[tilespmem:$0x1F000] =	vst v63  }
0x3b: {  	_ =	swait.ge [sflag:s25], $0x2000  }
0x3c: {  	[sflag:s25] =	ssyncset.done $0x0  }
0x3d: {  	s10 =	simm.s32 $0x2900;
	[sflag:s25] =	ssyncadd.s32 $0xFFFFE000  }
0x3e: {  	[spmem:s1] =	stream.indirect.scatter.add.f32 [tilespmem:s22], [sflag:$0x4], $0x80, s10, s17, $0xb8;
	[tilespmem:$0x1F000] =	vst v63  }
0x3f: {  	_ =	swait.ge [sflag:s15], $0x2000  }
0x40: {  	p1 =	por p2, p2;
	[sflag:s15] =	ssyncset.done $0x0  }
0x41: {  	s8 =	simm.s32 $0x600;
	s9 =	simm.s32 $0x280;
	[sflag:s15] =	ssyncadd.s32 $0xFFFFE000  }
.LBB2_4:
0x42: {  	[tilespmem:s22], [sflag:$0x3] =	stream.indirect.gather [hbm4b:s4+s17], $0x80, s9, s17, $0xb8;
	[tilespmem:$0x1F000] =	vst v63  }
0x43: {  	s9 =	smov.u32 s8  }
0x44: {  	p2 =	sne.s32 s8, $0x9000;
	s8 =	sadd.s32 $0x600, s8;
	_ =	swait.ge [sflag:s23], $0x2000  }
0x45: {  	s9 =	sshra.s32 s9, $0x2;
	[sflag:s23] =	ssyncset.done $0x0  }
0x46: {  	s10 =	sadd.s32 $0x2800, s9;
	[sflag:s23] =	ssyncadd.s32 $0xFFFFE000  }
0x47: {  	[spmem:s1] =	stream.indirect.scatter.add.f32 [tilespmem:s18], [sflag:$0x4], $0x80, s10, s17, $0xb8;
	[tilespmem:$0x1F000] =	vst v63  }
0x48: {  	_ =	swait.ge [sflag:s15], $0x2000  }
0x49: {  	[sflag:s15] =	ssyncset.done $0x0  }
0x4a: {  	s10 =	sadd.s32 $0x180, s9;
	[sflag:s15] =	ssyncadd.s32 $0xFFFFE000  }
0x4b: {  	[tilespmem:s18], [sflag:$0x1] =	stream.indirect.gather [hbm4b:s4+s17], $0x80, s10, s17, $0xb8;
	[tilespmem:$0x1F000] =	vst v63  }
0x4c: {  	_ =	swait.ge [sflag:s24], $0x2000  }
0x4d: {  	[sflag:s24] =	ssyncset.done $0x0  }
0x4e: {  	s10 =	sadd.s32 $0x2880, s9;
	[sflag:s24] =	ssyncadd.s32 $0xFFFFE000  }
0x4f: {  	[spmem:s1] =	stream.indirect.scatter.add.f32 [tilespmem:s20], [sflag:$0x4], $0x80, s10, s17, $0xb8;
	[tilespmem:$0x1F000] =	vst v63  }
0x50: {  	_ =	swait.ge [sflag:s15], $0x2000  }
0x51: {  	[sflag:s15] =	ssyncset.done $0x0  }
0x52: {  	s10 =	sadd.s32 $0x200, s9;
	[sflag:s15] =	ssyncadd.s32 $0xFFFFE000  }
0x53: {  	[tilespmem:s20], [sflag:$0x2] =	stream.indirect.gather [hbm4b:s4+s17], $0x80, s10, s17, $0xb8;
	[tilespmem:$0x1F000] =	vst v63  }
0x54: {  	_ =	swait.ge [sflag:s25], $0x2000  }
0x55: {  	[sflag:s25] =	ssyncset.done $0x0  }
.Ltmp0:
0x56: {  	s10 =	sadd.s32 $0x2900, s9;
	[sflag:s25] =	ssyncadd.s32 $0xFFFFE000;
	(pc) =	sbr.rel @p2 .LBB2_4-.Ltmp0, $4  }
0x57: {  	[spmem:s1] =	stream.indirect.scatter.add.f32 [tilespmem:s22], [sflag:$0x4], $0x80, s10, s17, $0xb8;
	[tilespmem:$0x1F000] =	vst v63  }
0x58: {  	_ =	swait.ge [sflag:s15], $0x2000  }
0x59: {  	[sflag:s15] =	ssyncset.done $0x0  }
0x5a: {  	s9 =	sadd.s32 $0x280, s9;
	[sflag:s15] =	ssyncadd.s32 $0xFFFFE000  }
0x5b: {  	[tilespmem:s22], [sflag:$0x3] =	stream.indirect.gather [hbm4b:s4+s17], $0x80, s9, s17, $0xb8;
	[tilespmem:$0x1F000] =	vst v63  }
0x5c: {  	s8 =	simm.s32 $0x1  }
0x5d: {  	_ =	swait.ge [sflag:s8], $0x2000  }
0x5e: {  	[sflag:s8] =	ssyncset.done $0x0  }
0x5f: {  	[sflag:s8] =	ssyncadd.s32 $0xFFFFE000  }
0x60: {  	[spmem:s1] =	stream.indirect.scatter.add.f32 [tilespmem:s18], [sflag:$0x4], $0x80, s26, s17, $0xb8;
	[tilespmem:$0x1F000] =	vst v63  }
0x61: {  	_ =	swait.ge [sflag:s15], $0x2000  }
0x62: {  	[sflag:s15] =	ssyncset.done $0x0  }
0x63: {  	[sflag:s15] =	ssyncadd.s32 $0xFFFFE000  }
0x64: {  	[tilespmem:s18], [sflag:$0x1] =	stream.indirect.gather [hbm4b:s4+s17], $0x80, s28, s17, $0xb8;
	[tilespmem:$0x1F000] =	vst v63  }
0x65: {  	_ =	swait.ge [sflag:s24], $0x2000  }
0x66: {  	[sflag:s24] =	ssyncset.done $0x0  }
0x67: {  	[sflag:s24] =	ssyncadd.s32 $0xFFFFE000  }
0x68: {  	[spmem:s1] =	stream.indirect.scatter.add.f32 [tilespmem:s20], [sflag:$0x4], $0x80, s29, s17, $0xb8;
	[tilespmem:$0x1F000] =	vst v63  }
0x69: {  	_ =	swait.ge [sflag:s15], $0x2000  }
0x6a: {  	[sflag:s15] =	ssyncset.done $0x0  }
0x6b: {  	[sflag:s15] =	ssyncadd.s32 $0xFFFFE000  }
0x6c: {  	[tilespmem:s20], [sflag:$0x2] =	stream.indirect.gather [hbm4b:s4+s17], $0x80, s30, s17, $0xb8;
	[tilespmem:$0x1F000] =	vst v63  }
0x6d: {  	_ =	swait.ge [sflag:s25], $0x2000  }
0x6e: {  	[sflag:s25] =	ssyncset.done $0x0  }
0x6f: {  	[sflag:s25] =	ssyncadd.s32 $0xFFFFE000  }
0x70: {  	[spmem:s1] =	stream.indirect.scatter.add.f32 [tilespmem:s22], [sflag:$0x4], $0x80, s31, s17, $0xb8;
	[tilespmem:$0x1F000] =	vst v63  }
0x71: {  	_ =	swait.ge [sflag:s15], $0x2000  }
0x72: {  	[sflag:s15] =	ssyncset.done $0x0  }
0x73: {  	[sflag:s15] =	ssyncadd.s32 $0xFFFFE000  }
0x74: {  	_ =	swait.ge [sflag:s8], $0x2000  }
0x75: {  	[sflag:s8] =	ssyncset.done $0x0  }
0x76: {  	[sflag:s8] =	ssyncadd.s32 $0xFFFFE000  }
0x77: {  	[spmem:s1] =	stream.indirect.scatter.add.f32 [tilespmem:s18], [sflag:$0x4], $0x80, s0, s17, $0xb8;
	[tilespmem:$0x1F000] =	vst v63  }
0x78: {  	_ =	swait.ge [sflag:s15], $0x2000  }
0x79: {  	[sflag:s15] =	ssyncset.done $0x0  }
0x7a: {  	[sflag:s15] =	ssyncadd.s32 $0xFFFFE000  }
0x7b: {  	_ =	swait.ge [sflag:s24], $0x2000  }
0x7c: {  	[sflag:s24] =	ssyncset.done $0x0  }
.Ltmp1:
0x7d: {  	[sflag:s24] =	ssyncadd.s32 $0xFFFFE000;
	(pc) =	sbr.rel @p1 .LBB2_3-.Ltmp1, $4  }
0x7e: {  	[spmem:s1] =	stream.indirect.scatter.add.f32 [tilespmem:s20], [sflag:$0x4], $0x80, s3, s17, $0xb8;
	[tilespmem:$0x1F000] =	vst v63  }
0x7f: {  	_ =	swait.ge [sflag:s15], $0x2000  }
0x80: {  	[sflag:s15] =	ssyncset.done $0x0  }
0x81: {  	p2 =	por $0x0, $0x0;
	[sflag:s15] =	ssyncadd.s32 $0xFFFFE000  }
0x82: {  	s2 =	smul.u32 $0x2800, s13  }
0x83: {  	s7 =	rddreg [dreg:$0x7]  }
0x84: {  	[bflag:$0x0] =	sbarrier.arrive $0xFFFF;
	s2 =	sadd.s32 s7, s2  }
0x85: {  	s13 =	rddreg [dreg:$0x5];
	s2 =	sshll.u32 s2, $0x4  }
0x86: {  	s2 =	sadd.s32 s13, s2  }
0x87: {  	[hbm:s2], [sflag:s11] =	dma.local [spmem:s14], $0x2800  }
.Ltmp2:
0x88: {  	_ =	swait.ge [sflag:s15], $0x2800;
	(pc) =	sbr.rel @p0 .LBB2_2-.Ltmp2, $4  }
0x89: {  	[sflag:s15] =	ssyncset.done $0x0  }
0x8a: {  	[sflag:s15] =	ssyncadd.s32 $0xFFFFD800  }
0x8b: {  	[bflag:$0x0] =	sbarrier.arrive $0xFFFF  }
0x8c: {  	p1 =	por $0x0, $0x0;
	s2 =	simm.s32 $0x1  }
0x8d: {  	s9 =	rddreg [dreg:$0x3]  }
0x8e: {  	s2 =	rddreg [dreg:$0x8];
	s9 =	sadd.s32 $0x1, s9  }
0x8f: {  	p0 =	sne.s32 s9, s2  }
.Ltmp3:
0x90: {  	_ = 	snop;
	(pc) =	sbr.rel @p0 .LBB2_1-.Ltmp3, $1  }
0x91: {  	_ =	sdelay $0x3  }
0x92: {  	_ =	sfence.sel $0x180000  }
0x93: {  	[bflag:$0x0] =	sbarrier.arrive $0xFFFF  }
0x94: {  	_ =	strace $0x9000004A  }
0x95: {  	s0 =	stileid.u32;
	[bflag:$0x2] =	sbarrier.arrive $0xFFFF  }
0x96: {  	p0 =	sne.s32 s0, $0x0;
	s0 =	rddreg [dreg:$0x2]  }
0x97: {  	s0 =	sadd.s32 @!p0 $0x100000, s0  }
0x98: {  	[sflag:s0] =	ssyncadd.tile.s32 @!p0 $0x1;
	_ =	shalt  }
.Lfunc_end2:
_tile_overlayer_lowered:
.L_overlay_start_2:
0x99: {  	(tag) =	ssettag $0x2  }
0x9a: {  	s0 =	rddreg [dreg:$0x0];
	s2 =	stileid.u32  }
0x9b: {  	s1 =	rddreg [dreg:$0x1];
	p0 =	sne.s32 s2, $0x0  }
0x9c: {  	s3 =	rddreg [dreg:$0x2];
	[bflag:$0x3] =	sbarrier.arrive $0xFFFF;
	s2 =	simm.s32 @!p0 $0x1C04  }
0x9d: {  	[timem:s3], [sflag:s2] =	dma.local @!p0 [hbm:s0], s1  }
0x9e: {  	s0 =	simm.s32 @!p0 $0x4  }
0x9f: {  	_ =	swait.ge @!p0 [sflag:s0], s1  }
0xa0: {  	s1 =	ssub.s32 @!p0 $0x0, s1;
	[sflag:s0] =	ssyncset.done @!p0 $0x0  }
0xa1: {  	[sflag:s0] =	ssyncadd.s32 @!p0 s1  }
0xa2: {  	[bflag:$0x3] =	sbarrier.arrive $0xFFFF  }
0xa3: {  	_ =	shalt  }

</sc_bundles>
